<compile_context>
chip_gen: v7x
topology: tpu7x:2x2x1
jax: 0.10.2.dev20260603
libtpu: 0.0.44.dev20260713+nightly
codegen_flags: <defaults>
</compile_context>

<pallas_src>
import functools

import jax
import jax.numpy as jnp
from jax import lax
from jax.experimental import pallas as pl
from jax.experimental.pallas import tpu as pltpu
from jax.experimental.pallas import tpu_sc as plsc

M = 1_000_000
N = 16384
D = 64
NS = 16
CHUNK = N // NS
W = 128
PIECES = CHUNK // W
ZROWS = 128

_MESH = plsc.VectorSubcoreMesh(
    core_axis_name="c", subcore_axis_name="s", num_cores=1
)
_CPARAMS = pltpu.CompilerParams(use_tc_tiling_on_sc=False)


def _load_idx(idx_hbm, idx_m, s):
    pltpu.sync_copy(idx_hbm.at[pl.ds(s * PIECES, PIECES), :], idx_m)


def _k1_body(idx_hbm, aux_hbm, idx_m, pos_m):
    s = lax.axis_index("s")
    base = s * CHUNK
    _load_idx(idx_hbm, idx_m, s)

    def _mk_pos(k, _):
        j = k // (W // 16)
        c = k % (W // 16)
        pos_m[j, pl.ds(c * 16, 16)] = (
            lax.iota(jnp.int32, 16) + (base + j * W + c * 16)
        )
        return _
    lax.fori_loop(0, PIECES * (W // 16), _mk_pos, 0)

    for j in range(PIECES):
        pltpu.sync_copy(pos_m.at[j], aux_hbm.at[idx_m.at[j]])


_k1 = functools.partial(
    pl.kernel,
    out_type=jax.ShapeDtypeStruct((M,), jnp.int32),
    mesh=_MESH,
    compiler_params=_CPARAMS,
    scratch_types=[
        pltpu.VMEM((PIECES, W), jnp.int32),
        pltpu.VMEM((PIECES, W), jnp.int32),
    ],
)(_k1_body)


def _k2_body(x_hbm, idx_hbm, aux_hbm, out_hbm,
             idx_m, w_m, x_v, zbuf, acc):
    s = lax.axis_index("s")
    base = s * CHUNK
    _load_idx(idx_hbm, idx_m, s)

    for j in range(PIECES):
        pltpu.sync_copy(aux_hbm.at[idx_m.at[j]], w_m.at[j])

    def _mk_zero(k, _):
        i = k // (D // 16)
        c = k % (D // 16)
        zbuf[i, pl.ds(c * 16, 16)] = jnp.zeros((16,), jnp.float32)
        return _
    lax.fori_loop(0, ZROWS * (D // 16), _mk_zero, 0)
    for r in range(CHUNK // ZROWS):
        pltpu.sync_copy(zbuf, acc.at[pl.ds(base + r * ZROWS, ZROWS), :])

    plsc.subcore_barrier()

    for j in range(PIECES):
        pltpu.sync_copy(x_hbm.at[pl.ds(base + j * W, W), :], x_v)
        pltpu.sync_copy(x_v, acc.at[w_m.at[j]], add=True)

    plsc.subcore_barrier()

    for j in range(PIECES):
        pltpu.sync_copy(acc.at[w_m.at[j]], x_v)
        pltpu.sync_copy(x_v, out_hbm.at[idx_m.at[j]])


_k2 = functools.partial(
    pl.kernel,
    out_type=(),
    mesh=_MESH,
    compiler_params=_CPARAMS,
    scratch_types=[
        pltpu.VMEM((PIECES, W), jnp.int32),
        pltpu.VMEM((PIECES, W), jnp.int32),
        pltpu.VMEM((W, D), jnp.float32),
        pltpu.VMEM((ZROWS, D), jnp.float32),
        pltpu.VMEM_SHARED((N, D), jnp.float32),
    ],
)(_k2_body)


def kernel(x_data, scatter_idcs, protoshape):
    idx = scatter_idcs.reshape(N).astype(jnp.int32).reshape(128, 128)
    aux = _k1(idx)
    out_ref = jax.new_ref(jnp.zeros((M, D), jnp.float32))
    _k2(x_data, idx, aux, out_ref)
    return jax.freeze(out_ref)

# --- scband reference (transcript-rebuilt; emitter-appended) ---
"""Pipeline reference for scband-vertex-scatterer-37091337568907 (READ-ONLY COPY).

The authoritative reference and input builder live on the scoring server;
editing this copy changes nothing except your own understanding.
"""

import jax, jax.numpy as jnp
import numpy as np


def setup_inputs(seed: int = 0) -> dict:
    key = jax.random.key(seed)
    k1, k2 = jax.random.split(key, 2)
    x_data = jax.random.normal(k1, (16384, 64), dtype=jnp.float32)
    scatter_idcs = jax.random.randint(k2, (16384, 1), 0, 1000000, dtype=jnp.int64)
    protoshape = jnp.zeros((1000000, 1), dtype=jnp.float32)
    return {"x_data": x_data, "scatter_idcs": scatter_idcs, "protoshape": protoshape}


def reference(x_data, scatter_idcs, protoshape):
    # Faithful translation of VertexScatterer.call:
    #   shape = tf.shape(protoshape)[:-1] ++ tf.shape(x_data)[1:2]
    #   out = tf.scatter_nd(indices=scatter_idcs, updates=x_data, shape=shape)
    # tf.scatter_nd accumulates (adds) duplicate indices into a zero tensor.
    M = protoshape.shape[0]
    d = x_data.shape[1]
    idx = scatter_idcs.astype(jnp.int64)[:, 0]
    out = jnp.zeros((M, d), dtype=x_data.dtype).at[idx].add(x_data)
    return out

if __name__ == "__main__":
    import jax
    _d = setup_inputs()
    print(jax.jit(kernel)(*tuple(_d.values())))

</pallas_src>

<mosaic_0001>
#map = affine_map<(d0, d1) -> (0, 0)>
#map1 = affine_map<(d0, d1) -> (0)>
module attributes {stable_mosaic.version = 14 : i64} {
  func.func @_k1_body(%arg0: i32, %arg1: i32, %arg2: memref<128x128xi32, #tpu.memory_space<hbm>>, %arg3: memref<1000000xi32, #tpu.memory_space<hbm>>, %arg4: memref<8x128xi32, #tpu.memory_space<vmem>>, %arg5: memref<8x128xi32, #tpu.memory_space<vmem>>) attributes {dimension_semantics = [#tpu.dimension_semantics<core_parallel>, #tpu.dimension_semantics<subcore_parallel>], iteration_bounds = array<i64: 1, 16>, scalar_prefetch = 0 : i64, scratch_operands = 2 : i64, tpu.core_type = #tpu.core_type<sc_vector_subcore>, window_params = [{transform_indices = #map}, {transform_indices = #map1}]} {
    %mul3A = arith.constant 1024 : i32
    %mul3A_0 = arith.muli %arg1, %mul3A : i32
    %mul3A_1 = arith.constant 8 : i32
    %mul3A_2 = arith.muli %arg1, %mul3A_1 : i32
    "tpu.region"() ({
      %run_scoped3A_23 = tpu.sem_alloc : memref<!tpu.dma_semaphore, #tpu.memory_space<semaphore_mem>>
      %dma_start3A = arith.constant 0 : i32
      %dma_start3A_24 = tpu.memref_slice %arg2[%mul3A_2, %dma_start3A] : memref<128x128xi32, #tpu.memory_space<hbm>> -> memref<8x128xi32, #tpu.memory_space<hbm>>
      %dma_start3A_25 = arith.constant 0 : i32
      %dma_start3A_26 = tpu.memref_slice %arg2[%mul3A_2, %dma_start3A_25] : memref<128x128xi32, #tpu.memory_space<hbm>> -> memref<8x128xi32, #tpu.memory_space<hbm>>
      tpu.enqueue_dma source(%dma_start3A_26 : memref<8x128xi32, #tpu.memory_space<hbm>>) target(%arg4 : memref<8x128xi32, #tpu.memory_space<vmem>>) target_semaphore(%run_scoped3A_23 : memref<!tpu.dma_semaphore, #tpu.memory_space<semaphore_mem>>)
      %dma_wait3A = arith.constant 0 : i32
      %dma_wait3A_27 = tpu.memref_slice %arg2[%mul3A_2, %dma_wait3A] : memref<128x128xi32, #tpu.memory_space<hbm>> -> memref<8x128xi32, #tpu.memory_space<hbm>>
      %dma_wait3A_28 = arith.constant 0 : i32
      %dma_wait3A_29 = tpu.memref_slice %arg2[%mul3A_2, %dma_wait3A_28] : memref<128x128xi32, #tpu.memory_space<hbm>> -> memref<8x128xi32, #tpu.memory_space<hbm>>
      tpu.wait_dma2 semaphore(%run_scoped3A_23 : memref<!tpu.dma_semaphore, #tpu.memory_space<semaphore_mem>>) src(%dma_wait3A_29 : memref<8x128xi32, #tpu.memory_space<hbm>>) dst(%arg4 : memref<8x128xi32, #tpu.memory_space<vmem>>)
      tpu.yield
    }) : () -> ()
    %scan3A = arith.constant 0 : i32
    %scan3A_3 = arith.constant 0 : i32
    %scan3A_4 = arith.constant 64 : i32
    %scan3A_5 = arith.addi %scan3A_3, %scan3A_4 : i32
    %scan3A_6 = arith.constant 1 : i32
    scf.for %scan3A_23 = %scan3A_3 to %scan3A_5 step %scan3A_6  : i32 {
      %jit3A = arith.constant 8 : i32
      %div3A = arith.divsi %scan3A_23, %jit3A : i32
      %sign3A = arith.constant 0 : i32
      %sign3A_24 = arith.cmpi sgt, %scan3A_23, %sign3A : i32
      %sign3A_25 = arith.extui %sign3A_24 : i1 to i32
      %sign3A_26 = arith.constant 0 : i32
      %sign3A_27 = arith.cmpi slt, %scan3A_23, %sign3A_26 : i32
      %sign3A_28 = arith.extui %sign3A_27 : i1 to i32
      %sign3A_29 = arith.subi %sign3A_25, %sign3A_28 : i32
      %sign3A_30 = arith.constant 0 : i32
      %sign3A_31 = arith.cmpi sgt, %jit3A, %sign3A_30 : i32
      %sign3A_32 = arith.extui %sign3A_31 : i1 to i32
      %sign3A_33 = arith.constant 0 : i32
      %sign3A_34 = arith.cmpi slt, %jit3A, %sign3A_33 : i32
      %sign3A_35 = arith.extui %sign3A_34 : i1 to i32
      %sign3A_36 = arith.subi %sign3A_32, %sign3A_35 : i32
      %ne3A = arith.cmpi ne, %sign3A_29, %sign3A_36 : i32
      %rem3A = arith.remsi %scan3A_23, %jit3A : i32
      %ne3A_37 = arith.constant 0 : i32
      %ne3A_38 = arith.cmpi ne, %rem3A, %ne3A_37 : i32
      %and3A = arith.andi %ne3A, %ne3A_38 : i1
      %sub3A = arith.constant 1 : i32
      %sub3A_39 = arith.subi %div3A, %sub3A : i32
      %select_n3A = arith.select %and3A, %sub3A_39, %div3A : i32
      %jit3A_40 = arith.constant 8 : i32
      %eq3A = arith.constant 0 : i32
      %eq3A_41 = arith.cmpi eq, %jit3A_40, %eq3A : i32
      %jit3A_42 = arith.constant 1 : i32
      %select_n3A_43 = arith.select %eq3A_41, %jit3A_42, %jit3A_40 : i32
      %rem3A_44 = arith.remsi %scan3A_23, %select_n3A_43 : i32
      %ne3A_45 = arith.constant 0 : i32
      %ne3A_46 = arith.cmpi ne, %rem3A_44, %ne3A_45 : i32
      %lt3A = arith.constant 0 : i32
      %lt3A_47 = arith.cmpi slt, %rem3A_44, %lt3A : i32
      %lt3A_48 = arith.constant 0 : i32
      %lt3A_49 = arith.cmpi slt, %select_n3A_43, %lt3A_48 : i32
      %ne3A_50 = arith.xori %lt3A_47, %lt3A_49 : i1
      %and3A_51 = arith.andi %ne3A_50, %ne3A_46 : i1
      %add3A = arith.addi %rem3A_44, %select_n3A_43 : i32
      %select_n3A_52 = arith.select %and3A_51, %add3A, %rem3A_44 : i32
      %iota3A = tpu.iota {dimensions = array<i32: 0>} : vector<16xi32>
      %mul3A_53 = arith.constant 128 : i32
      %mul3A_54 = arith.muli %select_n3A, %mul3A_53 : i32
      %add3A_55 = arith.addi %mul3A_0, %mul3A_54 : i32
      %mul3A_56 = arith.constant 16 : i32
      %mul3A_57 = arith.muli %select_n3A_52, %mul3A_56 : i32
      %add3A_58 = arith.addi %add3A_55, %mul3A_57 : i32
      %add3A_59 = vector.broadcast %add3A_58 : i32 to vector<16xi32>
      %add3A_60 = arith.addi %iota3A, %add3A_59 : vector<16xi32>
      %mul3A_61 = arith.constant 16 : i32
      %mul3A_62 = arith.muli %select_n3A_52, %mul3A_61 : i32
      %swap3A = arith.index_cast %select_n3A : i32 to index
      %swap3A_63 = arith.index_cast %mul3A_62 : i32 to index
      %swap3A_64 = tpu.vector_load %arg5[%swap3A, %swap3A_63] {strides = array<i32>} : memref<8x128xi32, #tpu.memory_space<vmem>>, vector<1x16xi32>,
      %swap3A_65 = vector.shape_cast %swap3A_64 : vector<1x16xi32> to vector<16xi32>
      %swap3A_66 = vector.shape_cast %add3A_60 : vector<16xi32> to vector<1x16xi32>
      tpu.vector_store %arg5[%swap3A, %swap3A_63], %swap3A_66 {strides = array<i32>} : memref<8x128xi32, #tpu.memory_space<vmem>>, vector<1x16xi32>,
    }
    %scan3A_7 = arith.constant 64 : i32
    %run_scoped3A = arith.constant 0 : i32
    %run_scoped3A_8 = arith.constant 0 : i32
    "tpu.region"() ({
      %run_scoped3A_23 = tpu.sem_alloc : memref<!tpu.dma_semaphore, #tpu.memory_space<semaphore_mem>>
      %dma_start3A = arith.constant 0 : i32
      %dma_start3A_24 = tpu.memref_slice %arg5[%run_scoped3A, %dma_start3A] : memref<8x128xi32, #tpu.memory_space<vmem>> -> memref<1x128xi32, #tpu.memory_space<vmem>>
      %dma_start3A_25 = tpu.memref_squeeze %dma_start3A_24 : memref<1x128xi32, #tpu.memory_space<vmem>> -> memref<128xi32, #tpu.memory_space<vmem>>
      %dma_start3A_26 = arith.constant 0 : i32
      %dma_start3A_27 = tpu.memref_slice %arg4[%run_scoped3A_8, %dma_start3A_26] : memref<8x128xi32, #tpu.memory_space<vmem>> -> memref<1x128xi32, #tpu.memory_space<vmem>>
      %dma_start3A_28 = tpu.memref_squeeze %dma_start3A_27 : memref<1x128xi32, #tpu.memory_space<vmem>> -> memref<128xi32, #tpu.memory_space<vmem>>
      %dma_start3A_29 = arith.constant 0 : i32
      %dma_start3A_30 = tpu.memref_slice %arg3[%dma_start3A_29] : memref<1000000xi32, #tpu.memory_space<hbm>> -> memref<1000000xi32, #tpu.memory_space<hbm>>
      tpu.enqueue_indirect_dma source(%dma_start3A_25 : memref<128xi32, #tpu.memory_space<vmem>>) target(%dma_start3A_30 : memref<1000000xi32, #tpu.memory_space<hbm>>) offsets(%dma_start3A_28 : memref<128xi32, #tpu.memory_space<vmem>>) semaphore(%run_scoped3A_23 : memref<!tpu.dma_semaphore, #tpu.memory_space<semaphore_mem>>)
      %dma_wait3A = arith.constant 0 : i32
      %dma_wait3A_31 = tpu.memref_slice %arg5[%run_scoped3A, %dma_wait3A] : memref<8x128xi32, #tpu.memory_space<vmem>> -> memref<1x128xi32, #tpu.memory_space<vmem>>
      %dma_wait3A_32 = tpu.memref_squeeze %dma_wait3A_31 : memref<1x128xi32, #tpu.memory_space<vmem>> -> memref<128xi32, #tpu.memory_space<vmem>>
      %dma_wait3A_33 = arith.constant 0 : i32
      %dma_wait3A_34 = tpu.memref_slice %arg4[%run_scoped3A_8, %dma_wait3A_33] : memref<8x128xi32, #tpu.memory_space<vmem>> -> memref<1x128xi32, #tpu.memory_space<vmem>>
      %dma_wait3A_35 = tpu.memref_squeeze %dma_wait3A_34 : memref<1x128xi32, #tpu.memory_space<vmem>> -> memref<128xi32, #tpu.memory_space<vmem>>
      %dma_wait3A_36 = arith.constant 0 : i32
      %dma_wait3A_37 = tpu.memref_slice %arg3[%dma_wait3A_36] : memref<1000000xi32, #tpu.memory_space<hbm>> -> memref<1000000xi32, #tpu.memory_space<hbm>>
      tpu.wait_indirect_dma semaphore(%run_scoped3A_23 : memref<!tpu.dma_semaphore, #tpu.memory_space<semaphore_mem>>) src(%dma_wait3A_32 : memref<128xi32, #tpu.memory_space<vmem>>) dst(%dma_wait3A_37 : memref<1000000xi32, #tpu.memory_space<hbm>>)
      tpu.yield
    }) : () -> ()
    %run_scoped3A_9 = arith.constant 1 : i32
    %run_scoped3A_10 = arith.constant 1 : i32
    "tpu.region"() ({
      %run_scoped3A_23 = tpu.sem_alloc : memref<!tpu.dma_semaphore, #tpu.memory_space<semaphore_mem>>
      %dma_start3A = arith.constant 0 : i32
      %dma_start3A_24 = tpu.memref_slice %arg5[%run_scoped3A_9, %dma_start3A] : memref<8x128xi32, #tpu.memory_space<vmem>> -> memref<1x128xi32, #tpu.memory_space<vmem>>
      %dma_start3A_25 = tpu.memref_squeeze %dma_start3A_24 : memref<1x128xi32, #tpu.memory_space<vmem>> -> memref<128xi32, #tpu.memory_space<vmem>>
      %dma_start3A_26 = arith.constant 0 : i32
      %dma_start3A_27 = tpu.memref_slice %arg4[%run_scoped3A_10, %dma_start3A_26] : memref<8x128xi32, #tpu.memory_space<vmem>> -> memref<1x128xi32, #tpu.memory_space<vmem>>
      %dma_start3A_28 = tpu.memref_squeeze %dma_start3A_27 : memref<1x128xi32, #tpu.memory_space<vmem>> -> memref<128xi32, #tpu.memory_space<vmem>>
      %dma_start3A_29 = arith.constant 0 : i32
      %dma_start3A_30 = tpu.memref_slice %arg3[%dma_start3A_29] : memref<1000000xi32, #tpu.memory_space<hbm>> -> memref<1000000xi32, #tpu.memory_space<hbm>>
      tpu.enqueue_indirect_dma source(%dma_start3A_25 : memref<128xi32, #tpu.memory_space<vmem>>) target(%dma_start3A_30 : memref<1000000xi32, #tpu.memory_space<hbm>>) offsets(%dma_start3A_28 : memref<128xi32, #tpu.memory_space<vmem>>) semaphore(%run_scoped3A_23 : memref<!tpu.dma_semaphore, #tpu.memory_space<semaphore_mem>>)
      %dma_wait3A = arith.constant 0 : i32
      %dma_wait3A_31 = tpu.memref_slice %arg5[%run_scoped3A_9, %dma_wait3A] : memref<8x128xi32, #tpu.memory_space<vmem>> -> memref<1x128xi32, #tpu.memory_space<vmem>>
      %dma_wait3A_32 = tpu.memref_squeeze %dma_wait3A_31 : memref<1x128xi32, #tpu.memory_space<vmem>> -> memref<128xi32, #tpu.memory_space<vmem>>
      %dma_wait3A_33 = arith.constant 0 : i32
      %dma_wait3A_34 = tpu.memref_slice %arg4[%run_scoped3A_10, %dma_wait3A_33] : memref<8x128xi32, #tpu.memory_space<vmem>> -> memref<1x128xi32, #tpu.memory_space<vmem>>
      %dma_wait3A_35 = tpu.memref_squeeze %dma_wait3A_34 : memref<1x128xi32, #tpu.memory_space<vmem>> -> memref<128xi32, #tpu.memory_space<vmem>>
      %dma_wait3A_36 = arith.constant 0 : i32
      %dma_wait3A_37 = tpu.memref_slice %arg3[%dma_wait3A_36] : memref<1000000xi32, #tpu.memory_space<hbm>> -> memref<1000000xi32, #tpu.memory_space<hbm>>
      tpu.wait_indirect_dma semaphore(%run_scoped3A_23 : memref<!tpu.dma_semaphore, #tpu.memory_space<semaphore_mem>>) src(%dma_wait3A_32 : memref<128xi32, #tpu.memory_space<vmem>>) dst(%dma_wait3A_37 : memref<1000000xi32, #tpu.memory_space<hbm>>)
      tpu.yield
    }) : () -> ()
    %run_scoped3A_11 = arith.constant 2 : i32
    %run_scoped3A_12 = arith.constant 2 : i32
    "tpu.region"() ({
      %run_scoped3A_23 = tpu.sem_alloc : memref<!tpu.dma_semaphore, #tpu.memory_space<semaphore_mem>>
      %dma_start3A = arith.constant 0 : i32
      %dma_start3A_24 = tpu.memref_slice %arg5[%run_scoped3A_11, %dma_start3A] : memref<8x128xi32, #tpu.memory_space<vmem>> -> memref<1x128xi32, #tpu.memory_space<vmem>>
      %dma_start3A_25 = tpu.memref_squeeze %dma_start3A_24 : memref<1x128xi32, #tpu.memory_space<vmem>> -> memref<128xi32, #tpu.memory_space<vmem>>
      %dma_start3A_26 = arith.constant 0 : i32
      %dma_start3A_27 = tpu.memref_slice %arg4[%run_scoped3A_12, %dma_start3A_26] : memref<8x128xi32, #tpu.memory_space<vmem>> -> memref<1x128xi32, #tpu.memory_space<vmem>>
      %dma_start3A_28 = tpu.memref_squeeze %dma_start3A_27 : memref<1x128xi32, #tpu.memory_space<vmem>> -> memref<128xi32, #tpu.memory_space<vmem>>
      %dma_start3A_29 = arith.constant 0 : i32
      %dma_start3A_30 = tpu.memref_slice %arg3[%dma_start3A_29] : memref<1000000xi32, #tpu.memory_space<hbm>> -> memref<1000000xi32, #tpu.memory_space<hbm>>
      tpu.enqueue_indirect_dma source(%dma_start3A_25 : memref<128xi32, #tpu.memory_space<vmem>>) target(%dma_start3A_30 : memref<1000000xi32, #tpu.memory_space<hbm>>) offsets(%dma_start3A_28 : memref<128xi32, #tpu.memory_space<vmem>>) semaphore(%run_scoped3A_23 : memref<!tpu.dma_semaphore, #tpu.memory_space<semaphore_mem>>)
      %dma_wait3A = arith.constant 0 : i32
      %dma_wait3A_31 = tpu.memref_slice %arg5[%run_scoped3A_11, %dma_wait3A] : memref<8x128xi32, #tpu.memory_space<vmem>> -> memref<1x128xi32, #tpu.memory_space<vmem>>
      %dma_wait3A_32 = tpu.memref_squeeze %dma_wait3A_31 : memref<1x128xi32, #tpu.memory_space<vmem>> -> memref<128xi32, #tpu.memory_space<vmem>>
      %dma_wait3A_33 = arith.constant 0 : i32
      %dma_wait3A_34 = tpu.memref_slice %arg4[%run_scoped3A_12, %dma_wait3A_33] : memref<8x128xi32, #tpu.memory_space<vmem>> -> memref<1x128xi32, #tpu.memory_space<vmem>>
      %dma_wait3A_35 = tpu.memref_squeeze %dma_wait3A_34 : memref<1x128xi32, #tpu.memory_space<vmem>> -> memref<128xi32, #tpu.memory_space<vmem>>
      %dma_wait3A_36 = arith.constant 0 : i32
      %dma_wait3A_37 = tpu.memref_slice %arg3[%dma_wait3A_36] : memref<1000000xi32, #tpu.memory_space<hbm>> -> memref<1000000xi32, #tpu.memory_space<hbm>>
      tpu.wait_indirect_dma semaphore(%run_scoped3A_23 : memref<!tpu.dma_semaphore, #tpu.memory_space<semaphore_mem>>) src(%dma_wait3A_32 : memref<128xi32, #tpu.memory_space<vmem>>) dst(%dma_wait3A_37 : memref<1000000xi32, #tpu.memory_space<hbm>>)
      tpu.yield
    }) : () -> ()
    %run_scoped3A_13 = arith.constant 3 : i32
    %run_scoped3A_14 = arith.constant 3 : i32
    "tpu.region"() ({
      %run_scoped3A_23 = tpu.sem_alloc : memref<!tpu.dma_semaphore, #tpu.memory_space<semaphore_mem>>
      %dma_start3A = arith.constant 0 : i32
      %dma_start3A_24 = tpu.memref_slice %arg5[%run_scoped3A_13, %dma_start3A] : memref<8x128xi32, #tpu.memory_space<vmem>> -> memref<1x128xi32, #tpu.memory_space<vmem>>
      %dma_start3A_25 = tpu.memref_squeeze %dma_start3A_24 : memref<1x128xi32, #tpu.memory_space<vmem>> -> memref<128xi32, #tpu.memory_space<vmem>>
      %dma_start3A_26 = arith.constant 0 : i32
      %dma_start3A_27 = tpu.memref_slice %arg4[%run_scoped3A_14, %dma_start3A_26] : memref<8x128xi32, #tpu.memory_space<vmem>> -> memref<1x128xi32, #tpu.memory_space<vmem>>
      %dma_start3A_28 = tpu.memref_squeeze %dma_start3A_27 : memref<1x128xi32, #tpu.memory_space<vmem>> -> memref<128xi32, #tpu.memory_space<vmem>>
      %dma_start3A_29 = arith.constant 0 : i32
      %dma_start3A_30 = tpu.memref_slice %arg3[%dma_start3A_29] : memref<1000000xi32, #tpu.memory_space<hbm>> -> memref<1000000xi32, #tpu.memory_space<hbm>>
      tpu.enqueue_indirect_dma source(%dma_start3A_25 : memref<128xi32, #tpu.memory_space<vmem>>) target(%dma_start3A_30 : memref<1000000xi32, #tpu.memory_space<hbm>>) offsets(%dma_start3A_28 : memref<128xi32, #tpu.memory_space<vmem>>) semaphore(%run_scoped3A_23 : memref<!tpu.dma_semaphore, #tpu.memory_space<semaphore_mem>>)
      %dma_wait3A = arith.constant 0 : i32
      %dma_wait3A_31 = tpu.memref_slice %arg5[%run_scoped3A_13, %dma_wait3A] : memref<8x128xi32, #tpu.memory_space<vmem>> -> memref<1x128xi32, #tpu.memory_space<vmem>>
      %dma_wait3A_32 = tpu.memref_squeeze %dma_wait3A_31 : memref<1x128xi32, #tpu.memory_space<vmem>> -> memref<128xi32, #tpu.memory_space<vmem>>
      %dma_wait3A_33 = arith.constant 0 : i32
      %dma_wait3A_34 = tpu.memref_slice %arg4[%run_scoped3A_14, %dma_wait3A_33] : memref<8x128xi32, #tpu.memory_space<vmem>> -> memref<1x128xi32, #tpu.memory_space<vmem>>
      %dma_wait3A_35 = tpu.memref_squeeze %dma_wait3A_34 : memref<1x128xi32, #tpu.memory_space<vmem>> -> memref<128xi32, #tpu.memory_space<vmem>>
      %dma_wait3A_36 = arith.constant 0 : i32
      %dma_wait3A_37 = tpu.memref_slice %arg3[%dma_wait3A_36] : memref<1000000xi32, #tpu.memory_space<hbm>> -> memref<1000000xi32, #tpu.memory_space<hbm>>
      tpu.wait_indirect_dma semaphore(%run_scoped3A_23 : memref<!tpu.dma_semaphore, #tpu.memory_space<semaphore_mem>>) src(%dma_wait3A_32 : memref<128xi32, #tpu.memory_space<vmem>>) dst(%dma_wait3A_37 : memref<1000000xi32, #tpu.memory_space<hbm>>)
      tpu.yield
    }) : () -> ()
    %run_scoped3A_15 = arith.constant 4 : i32
    %run_scoped3A_16 = arith.constant 4 : i32
    "tpu.region"() ({
      %run_scoped3A_23 = tpu.sem_alloc : memref<!tpu.dma_semaphore, #tpu.memory_space<semaphore_mem>>
      %dma_start3A = arith.constant 0 : i32
      %dma_start3A_24 = tpu.memref_slice %arg5[%run_scoped3A_15, %dma_start3A] : memref<8x128xi32, #tpu.memory_space<vmem>> -> memref<1x128xi32, #tpu.memory_space<vmem>>
      %dma_start3A_25 = tpu.memref_squeeze %dma_start3A_24 : memref<1x128xi32, #tpu.memory_space<vmem>> -> memref<128xi32, #tpu.memory_space<vmem>>
      %dma_start3A_26 = arith.constant 0 : i32
      %dma_start3A_27 = tpu.memref_slice %arg4[%run_scoped3A_16, %dma_start3A_26] : memref<8x128xi32, #tpu.memory_space<vmem>> -> memref<1x128xi32, #tpu.memory_space<vmem>>
      %dma_start3A_28 = tpu.memref_squeeze %dma_start3A_27 : memref<1x128xi32, #tpu.memory_space<vmem>> -> memref<128xi32, #tpu.memory_space<vmem>>
      %dma_start3A_29 = arith.constant 0 : i32
      %dma_start3A_30 = tpu.memref_slice %arg3[%dma_start3A_29] : memref<1000000xi32, #tpu.memory_space<hbm>> -> memref<1000000xi32, #tpu.memory_space<hbm>>
      tpu.enqueue_indirect_dma source(%dma_start3A_25 : memref<128xi32, #tpu.memory_space<vmem>>) target(%dma_start3A_30 : memref<1000000xi32, #tpu.memory_space<hbm>>) offsets(%dma_start3A_28 : memref<128xi32, #tpu.memory_space<vmem>>) semaphore(%run_scoped3A_23 : memref<!tpu.dma_semaphore, #tpu.memory_space<semaphore_mem>>)
      %dma_wait3A = arith.constant 0 : i32
      %dma_wait3A_31 = tpu.memref_slice %arg5[%run_scoped3A_15, %dma_wait3A] : memref<8x128xi32, #tpu.memory_space<vmem>> -> memref<1x128xi32, #tpu.memory_space<vmem>>
      %dma_wait3A_32 = tpu.memref_squeeze %dma_wait3A_31 : memref<1x128xi32, #tpu.memory_space<vmem>> -> memref<128xi32, #tpu.memory_space<vmem>>
      %dma_wait3A_33 = arith.constant 0 : i32
      %dma_wait3A_34 = tpu.memref_slice %arg4[%run_scoped3A_16, %dma_wait3A_33] : memref<8x128xi32, #tpu.memory_space<vmem>> -> memref<1x128xi32, #tpu.memory_space<vmem>>
      %dma_wait3A_35 = tpu.memref_squeeze %dma_wait3A_34 : memref<1x128xi32, #tpu.memory_space<vmem>> -> memref<128xi32, #tpu.memory_space<vmem>>
      %dma_wait3A_36 = arith.constant 0 : i32
      %dma_wait3A_37 = tpu.memref_slice %arg3[%dma_wait3A_36] : memref<1000000xi32, #tpu.memory_space<hbm>> -> memref<1000000xi32, #tpu.memory_space<hbm>>
      tpu.wait_indirect_dma semaphore(%run_scoped3A_23 : memref<!tpu.dma_semaphore, #tpu.memory_space<semaphore_mem>>) src(%dma_wait3A_32 : memref<128xi32, #tpu.memory_space<vmem>>) dst(%dma_wait3A_37 : memref<1000000xi32, #tpu.memory_space<hbm>>)
      tpu.yield
    }) : () -> ()
    %run_scoped3A_17 = arith.constant 5 : i32
    %run_scoped3A_18 = arith.constant 5 : i32
    "tpu.region"() ({
      %run_scoped3A_23 = tpu.sem_alloc : memref<!tpu.dma_semaphore, #tpu.memory_space<semaphore_mem>>
      %dma_start3A = arith.constant 0 : i32
      %dma_start3A_24 = tpu.memref_slice %arg5[%run_scoped3A_17, %dma_start3A] : memref<8x128xi32, #tpu.memory_space<vmem>> -> memref<1x128xi32, #tpu.memory_space<vmem>>
      %dma_start3A_25 = tpu.memref_squeeze %dma_start3A_24 : memref<1x128xi32, #tpu.memory_space<vmem>> -> memref<128xi32, #tpu.memory_space<vmem>>
      %dma_start3A_26 = arith.constant 0 : i32
      %dma_start3A_27 = tpu.memref_slice %arg4[%run_scoped3A_18, %dma_start3A_26] : memref<8x128xi32, #tpu.memory_space<vmem>> -> memref<1x128xi32, #tpu.memory_space<vmem>>
      %dma_start3A_28 = tpu.memref_squeeze %dma_start3A_27 : memref<1x128xi32, #tpu.memory_space<vmem>> -> memref<128xi32, #tpu.memory_space<vmem>>
      %dma_start3A_29 = arith.constant 0 : i32
      %dma_start3A_30 = tpu.memref_slice %arg3[%dma_start3A_29] : memref<1000000xi32, #tpu.memory_space<hbm>> -> memref<1000000xi32, #tpu.memory_space<hbm>>
      tpu.enqueue_indirect_dma source(%dma_start3A_25 : memref<128xi32, #tpu.memory_space<vmem>>) target(%dma_start3A_30 : memref<1000000xi32, #tpu.memory_space<hbm>>) offsets(%dma_start3A_28 : memref<128xi32, #tpu.memory_space<vmem>>) semaphore(%run_scoped3A_23 : memref<!tpu.dma_semaphore, #tpu.memory_space<semaphore_mem>>)
      %dma_wait3A = arith.constant 0 : i32
      %dma_wait3A_31 = tpu.memref_slice %arg5[%run_scoped3A_17, %dma_wait3A] : memref<8x128xi32, #tpu.memory_space<vmem>> -> memref<1x128xi32, #tpu.memory_space<vmem>>
      %dma_wait3A_32 = tpu.memref_squeeze %dma_wait3A_31 : memref<1x128xi32, #tpu.memory_space<vmem>> -> memref<128xi32, #tpu.memory_space<vmem>>
      %dma_wait3A_33 = arith.constant 0 : i32
      %dma_wait3A_34 = tpu.memref_slice %arg4[%run_scoped3A_18, %dma_wait3A_33] : memref<8x128xi32, #tpu.memory_space<vmem>> -> memref<1x128xi32, #tpu.memory_space<vmem>>
      %dma_wait3A_35 = tpu.memref_squeeze %dma_wait3A_34 : memref<1x128xi32, #tpu.memory_space<vmem>> -> memref<128xi32, #tpu.memory_space<vmem>>
      %dma_wait3A_36 = arith.constant 0 : i32
      %dma_wait3A_37 = tpu.memref_slice %arg3[%dma_wait3A_36] : memref<1000000xi32, #tpu.memory_space<hbm>> -> memref<1000000xi32, #tpu.memory_space<hbm>>
      tpu.wait_indirect_dma semaphore(%run_scoped3A_23 : memref<!tpu.dma_semaphore, #tpu.memory_space<semaphore_mem>>) src(%dma_wait3A_32 : memref<128xi32, #tpu.memory_space<vmem>>) dst(%dma_wait3A_37 : memref<1000000xi32, #tpu.memory_space<hbm>>)
      tpu.yield
    }) : () -> ()
    %run_scoped3A_19 = arith.constant 6 : i32
    %run_scoped3A_20 = arith.constant 6 : i32
    "tpu.region"() ({
      %run_scoped3A_23 = tpu.sem_alloc : memref<!tpu.dma_semaphore, #tpu.memory_space<semaphore_mem>>
      %dma_start3A = arith.constant 0 : i32
      %dma_start3A_24 = tpu.memref_slice %arg5[%run_scoped3A_19, %dma_start3A] : memref<8x128xi32, #tpu.memory_space<vmem>> -> memref<1x128xi32, #tpu.memory_space<vmem>>
      %dma_start3A_25 = tpu.memref_squeeze %dma_start3A_24 : memref<1x128xi32, #tpu.memory_space<vmem>> -> memref<128xi32, #tpu.memory_space<vmem>>
      %dma_start3A_26 = arith.constant 0 : i32
      %dma_start3A_27 = tpu.memref_slice %arg4[%run_scoped3A_20, %dma_start3A_26] : memref<8x128xi32, #tpu.memory_space<vmem>> -> memref<1x128xi32, #tpu.memory_space<vmem>>
      %dma_start3A_28 = tpu.memref_squeeze %dma_start3A_27 : memref<1x128xi32, #tpu.memory_space<vmem>> -> memref<128xi32, #tpu.memory_space<vmem>>
      %dma_start3A_29 = arith.constant 0 : i32
      %dma_start3A_30 = tpu.memref_slice %arg3[%dma_start3A_29] : memref<1000000xi32, #tpu.memory_space<hbm>> -> memref<1000000xi32, #tpu.memory_space<hbm>>
      tpu.enqueue_indirect_dma source(%dma_start3A_25 : memref<128xi32, #tpu.memory_space<vmem>>) target(%dma_start3A_30 : memref<1000000xi32, #tpu.memory_space<hbm>>) offsets(%dma_start3A_28 : memref<128xi32, #tpu.memory_space<vmem>>) semaphore(%run_scoped3A_23 : memref<!tpu.dma_semaphore, #tpu.memory_space<semaphore_mem>>)
      %dma_wait3A = arith.constant 0 : i32
      %dma_wait3A_31 = tpu.memref_slice %arg5[%run_scoped3A_19, %dma_wait3A] : memref<8x128xi32, #tpu.memory_space<vmem>> -> memref<1x128xi32, #tpu.memory_space<vmem>>
      %dma_wait3A_32 = tpu.memref_squeeze %dma_wait3A_31 : memref<1x128xi32, #tpu.memory_space<vmem>> -> memref<128xi32, #tpu.memory_space<vmem>>
      %dma_wait3A_33 = arith.constant 0 : i32
      %dma_wait3A_34 = tpu.memref_slice %arg4[%run_scoped3A_20, %dma_wait3A_33] : memref<8x128xi32, #tpu.memory_space<vmem>> -> memref<1x128xi32, #tpu.memory_space<vmem>>
      %dma_wait3A_35 = tpu.memref_squeeze %dma_wait3A_34 : memref<1x128xi32, #tpu.memory_space<vmem>> -> memref<128xi32, #tpu.memory_space<vmem>>
      %dma_wait3A_36 = arith.constant 0 : i32
      %dma_wait3A_37 = tpu.memref_slice %arg3[%dma_wait3A_36] : memref<1000000xi32, #tpu.memory_space<hbm>> -> memref<1000000xi32, #tpu.memory_space<hbm>>
      tpu.wait_indirect_dma semaphore(%run_scoped3A_23 : memref<!tpu.dma_semaphore, #tpu.memory_space<semaphore_mem>>) src(%dma_wait3A_32 : memref<128xi32, #tpu.memory_space<vmem>>) dst(%dma_wait3A_37 : memref<1000000xi32, #tpu.memory_space<hbm>>)
      tpu.yield
    }) : () -> ()
    %run_scoped3A_21 = arith.constant 7 : i32
    %run_scoped3A_22 = arith.constant 7 : i32
    "tpu.region"() ({
      %run_scoped3A_23 = tpu.sem_alloc : memref<!tpu.dma_semaphore, #tpu.memory_space<semaphore_mem>>
      %dma_start3A = arith.constant 0 : i32
      %dma_start3A_24 = tpu.memref_slice %arg5[%run_scoped3A_21, %dma_start3A] : memref<8x128xi32, #tpu.memory_space<vmem>> -> memref<1x128xi32, #tpu.memory_space<vmem>>
      %dma_start3A_25 = tpu.memref_squeeze %dma_start3A_24 : memref<1x128xi32, #tpu.memory_space<vmem>> -> memref<128xi32, #tpu.memory_space<vmem>>
      %dma_start3A_26 = arith.constant 0 : i32
      %dma_start3A_27 = tpu.memref_slice %arg4[%run_scoped3A_22, %dma_start3A_26] : memref<8x128xi32, #tpu.memory_space<vmem>> -> memref<1x128xi32, #tpu.memory_space<vmem>>
      %dma_start3A_28 = tpu.memref_squeeze %dma_start3A_27 : memref<1x128xi32, #tpu.memory_space<vmem>> -> memref<128xi32, #tpu.memory_space<vmem>>
      %dma_start3A_29 = arith.constant 0 : i32
      %dma_start3A_30 = tpu.memref_slice %arg3[%dma_start3A_29] : memref<1000000xi32, #tpu.memory_space<hbm>> -> memref<1000000xi32, #tpu.memory_space<hbm>>
      tpu.enqueue_indirect_dma source(%dma_start3A_25 : memref<128xi32, #tpu.memory_space<vmem>>) target(%dma_start3A_30 : memref<1000000xi32, #tpu.memory_space<hbm>>) offsets(%dma_start3A_28 : memref<128xi32, #tpu.memory_space<vmem>>) semaphore(%run_scoped3A_23 : memref<!tpu.dma_semaphore, #tpu.memory_space<semaphore_mem>>)
      %dma_wait3A = arith.constant 0 : i32
      %dma_wait3A_31 = tpu.memref_slice %arg5[%run_scoped3A_21, %dma_wait3A] : memref<8x128xi32, #tpu.memory_space<vmem>> -> memref<1x128xi32, #tpu.memory_space<vmem>>
      %dma_wait3A_32 = tpu.memref_squeeze %dma_wait3A_31 : memref<1x128xi32, #tpu.memory_space<vmem>> -> memref<128xi32, #tpu.memory_space<vmem>>
      %dma_wait3A_33 = arith.constant 0 : i32
      %dma_wait3A_34 = tpu.memref_slice %arg4[%run_scoped3A_22, %dma_wait3A_33] : memref<8x128xi32, #tpu.memory_space<vmem>> -> memref<1x128xi32, #tpu.memory_space<vmem>>
      %dma_wait3A_35 = tpu.memref_squeeze %dma_wait3A_34 : memref<1x128xi32, #tpu.memory_space<vmem>> -> memref<128xi32, #tpu.memory_space<vmem>>
      %dma_wait3A_36 = arith.constant 0 : i32
      %dma_wait3A_37 = tpu.memref_slice %arg3[%dma_wait3A_36] : memref<1000000xi32, #tpu.memory_space<hbm>> -> memref<1000000xi32, #tpu.memory_space<hbm>>
      tpu.wait_indirect_dma semaphore(%run_scoped3A_23 : memref<!tpu.dma_semaphore, #tpu.memory_space<semaphore_mem>>) src(%dma_wait3A_32 : memref<128xi32, #tpu.memory_space<vmem>>) dst(%dma_wait3A_37 : memref<1000000xi32, #tpu.memory_space<hbm>>)
      tpu.yield
    }) : () -> ()
    return
  }
}

#map = affine_map<(d0, d1) -> (0, 0)>
#map1 = affine_map<(d0, d1) -> (0)>
module attributes {stable_mosaic.version = 14 : i64} {
  func.func @new_body(%arg0: i32, %arg1: i32, %arg2: memref<16384x64xf32, #tpu.memory_space<hbm>>, %arg3: memref<128x128xi32, #tpu.memory_space<hbm>>, %arg4: memref<1000000xi32, #tpu.memory_space<hbm>>, %arg5: memref<1000000x64xf32, #tpu.memory_space<hbm>>, %arg6: memref<1000000x64xf32, #tpu.memory_space<hbm>>, %arg7: memref<8x128xi32, #tpu.memory_space<vmem>>, %arg8: memref<8x128xi32, #tpu.memory_space<vmem>>, %arg9: memref<128x64xf32, #tpu.memory_space<vmem>>, %arg10: memref<128x64xf32, #tpu.memory_space<vmem>>, %arg11: memref<16384x64xf32, #tpu.memory_space<vmem_shared>>) attributes {dimension_semantics = [#tpu.dimension_semantics<core_parallel>, #tpu.dimension_semantics<subcore_parallel>], iteration_bounds = array<i64: 1, 16>, scalar_prefetch = 0 : i64, scratch_operands = 5 : i64, tpu.core_type = #tpu.core_type<sc_vector_subcore>, window_params = [{transform_indices = #map}, {transform_indices = #map}, {transform_indices = #map1}, {transform_indices = #map}, {transform_indices = #map}]} {
    %mul3A = arith.constant 1024 : i32
    %mul3A_0 = arith.muli %arg1, %mul3A : i32
    %mul3A_1 = arith.constant 8 : i32
    %mul3A_2 = arith.muli %arg1, %mul3A_1 : i32
    "tpu.region"() ({
      %run_scoped3A_79 = tpu.sem_alloc : memref<!tpu.dma_semaphore, #tpu.memory_space<semaphore_mem>>
      %dma_start3A = arith.constant 0 : i32
      %dma_start3A_80 = tpu.memref_slice %arg3[%mul3A_2, %dma_start3A] : memref<128x128xi32, #tpu.memory_space<hbm>> -> memref<8x128xi32, #tpu.memory_space<hbm>>
      %dma_start3A_81 = arith.constant 0 : i32
      %dma_start3A_82 = tpu.memref_slice %arg3[%mul3A_2, %dma_start3A_81] : memref<128x128xi32, #tpu.memory_space<hbm>> -> memref<8x128xi32, #tpu.memory_space<hbm>>
      tpu.enqueue_dma source(%dma_start3A_82 : memref<8x128xi32, #tpu.memory_space<hbm>>) target(%arg7 : memref<8x128xi32, #tpu.memory_space<vmem>>) target_semaphore(%run_scoped3A_79 : memref<!tpu.dma_semaphore, #tpu.memory_space<semaphore_mem>>)
      %dma_wait3A = arith.constant 0 : i32
      %dma_wait3A_83 = tpu.memref_slice %arg3[%mul3A_2, %dma_wait3A] : memref<128x128xi32, #tpu.memory_space<hbm>> -> memref<8x128xi32, #tpu.memory_space<hbm>>
      %dma_wait3A_84 = arith.constant 0 : i32
      %dma_wait3A_85 = tpu.memref_slice %arg3[%mul3A_2, %dma_wait3A_84] : memref<128x128xi32, #tpu.memory_space<hbm>> -> memref<8x128xi32, #tpu.memory_space<hbm>>
      tpu.wait_dma2 semaphore(%run_scoped3A_79 : memref<!tpu.dma_semaphore, #tpu.memory_space<semaphore_mem>>) src(%dma_wait3A_85 : memref<8x128xi32, #tpu.memory_space<hbm>>) dst(%arg7 : memref<8x128xi32, #tpu.memory_space<vmem>>)
      tpu.yield
    }) : () -> ()
    %run_scoped3A = arith.constant 0 : i32
    %run_scoped3A_3 = arith.constant 0 : i32
    "tpu.region"() ({
      %run_scoped3A_79 = tpu.sem_alloc : memref<!tpu.dma_semaphore, #tpu.memory_space<semaphore_mem>>
      %dma_start3A = arith.constant 0 : i32
      %dma_start3A_80 = tpu.memref_slice %arg8[%run_scoped3A_3, %dma_start3A] : memref<8x128xi32, #tpu.memory_space<vmem>> -> memref<1x128xi32, #tpu.memory_space<vmem>>
      %dma_start3A_81 = tpu.memref_squeeze %dma_start3A_80 : memref<1x128xi32, #tpu.memory_space<vmem>> -> memref<128xi32, #tpu.memory_space<vmem>>
      %dma_start3A_82 = arith.constant 0 : i32
      %dma_start3A_83 = tpu.memref_slice %arg7[%run_scoped3A, %dma_start3A_82] : memref<8x128xi32, #tpu.memory_space<vmem>> -> memref<1x128xi32, #tpu.memory_space<vmem>>
      %dma_start3A_84 = tpu.memref_squeeze %dma_start3A_83 : memref<1x128xi32, #tpu.memory_space<vmem>> -> memref<128xi32, #tpu.memory_space<vmem>>
      %dma_start3A_85 = arith.constant 0 : i32
      %dma_start3A_86 = tpu.memref_slice %arg4[%dma_start3A_85] : memref<1000000xi32, #tpu.memory_space<hbm>> -> memref<1000000xi32, #tpu.memory_space<hbm>>
      tpu.enqueue_indirect_dma source(%dma_start3A_86 : memref<1000000xi32, #tpu.memory_space<hbm>>) target(%dma_start3A_81 : memref<128xi32, #tpu.memory_space<vmem>>) offsets(%dma_start3A_84 : memref<128xi32, #tpu.memory_space<vmem>>) semaphore(%run_scoped3A_79 : memref<!tpu.dma_semaphore, #tpu.memory_space<semaphore_mem>>)
      %dma_wait3A = arith.constant 0 : i32
      %dma_wait3A_87 = tpu.memref_slice %arg8[%run_scoped3A_3, %dma_wait3A] : memref<8x128xi32, #tpu.memory_space<vmem>> -> memref<1x128xi32, #tpu.memory_space<vmem>>
      %dma_wait3A_88 = tpu.memref_squeeze %dma_wait3A_87 : memref<1x128xi32, #tpu.memory_space<vmem>> -> memref<128xi32, #tpu.memory_space<vmem>>
      %dma_wait3A_89 = arith.constant 0 : i32
      %dma_wait3A_90 = tpu.memref_slice %arg7[%run_scoped3A, %dma_wait3A_89] : memref<8x128xi32, #tpu.memory_space<vmem>> -> memref<1x128xi32, #tpu.memory_space<vmem>>
      %dma_wait3A_91 = tpu.memref_squeeze %dma_wait3A_90 : memref<1x128xi32, #tpu.memory_space<vmem>> -> memref<128xi32, #tpu.memory_space<vmem>>
      %dma_wait3A_92 = arith.constant 0 : i32
      %dma_wait3A_93 = tpu.memref_slice %arg4[%dma_wait3A_92] : memref<1000000xi32, #tpu.memory_space<hbm>> -> memref<1000000xi32, #tpu.memory_space<hbm>>
      tpu.wait_indirect_dma semaphore(%run_scoped3A_79 : memref<!tpu.dma_semaphore, #tpu.memory_space<semaphore_mem>>) src(%dma_wait3A_93 : memref<1000000xi32, #tpu.memory_space<hbm>>) dst(%dma_wait3A_88 : memref<128xi32, #tpu.memory_space<vmem>>)
      tpu.yield
    }) : () -> ()
    %run_scoped3A_4 = arith.constant 1 : i32
    %run_scoped3A_5 = arith.constant 1 : i32
    "tpu.region"() ({
      %run_scoped3A_79 = tpu.sem_alloc : memref<!tpu.dma_semaphore, #tpu.memory_space<semaphore_mem>>
      %dma_start3A = arith.constant 0 : i32
      %dma_start3A_80 = tpu.memref_slice %arg8[%run_scoped3A_5, %dma_start3A] : memref<8x128xi32, #tpu.memory_space<vmem>> -> memref<1x128xi32, #tpu.memory_space<vmem>>
      %dma_start3A_81 = tpu.memref_squeeze %dma_start3A_80 : memref<1x128xi32, #tpu.memory_space<vmem>> -> memref<128xi32, #tpu.memory_space<vmem>>
      %dma_start3A_82 = arith.constant 0 : i32
      %dma_start3A_83 = tpu.memref_slice %arg7[%run_scoped3A_4, %dma_start3A_82] : memref<8x128xi32, #tpu.memory_space<vmem>> -> memref<1x128xi32, #tpu.memory_space<vmem>>
      %dma_start3A_84 = tpu.memref_squeeze %dma_start3A_83 : memref<1x128xi32, #tpu.memory_space<vmem>> -> memref<128xi32, #tpu.memory_space<vmem>>
      %dma_start3A_85 = arith.constant 0 : i32
      %dma_start3A_86 = tpu.memref_slice %arg4[%dma_start3A_85] : memref<1000000xi32, #tpu.memory_space<hbm>> -> memref<1000000xi32, #tpu.memory_space<hbm>>
      tpu.enqueue_indirect_dma source(%dma_start3A_86 : memref<1000000xi32, #tpu.memory_space<hbm>>) target(%dma_start3A_81 : memref<128xi32, #tpu.memory_space<vmem>>) offsets(%dma_start3A_84 : memref<128xi32, #tpu.memory_space<vmem>>) semaphore(%run_scoped3A_79 : memref<!tpu.dma_semaphore, #tpu.memory_space<semaphore_mem>>)
      %dma_wait3A = arith.constant 0 : i32
      %dma_wait3A_87 = tpu.memref_slice %arg8[%run_scoped3A_5, %dma_wait3A] : memref<8x128xi32, #tpu.memory_space<vmem>> -> memref<1x128xi32, #tpu.memory_space<vmem>>
      %dma_wait3A_88 = tpu.memref_squeeze %dma_wait3A_87 : memref<1x128xi32, #tpu.memory_space<vmem>> -> memref<128xi32, #tpu.memory_space<vmem>>
      %dma_wait3A_89 = arith.constant 0 : i32
      %dma_wait3A_90 = tpu.memref_slice %arg7[%run_scoped3A_4, %dma_wait3A_89] : memref<8x128xi32, #tpu.memory_space<vmem>> -> memref<1x128xi32, #tpu.memory_space<vmem>>
      %dma_wait3A_91 = tpu.memref_squeeze %dma_wait3A_90 : memref<1x128xi32, #tpu.memory_space<vmem>> -> memref<128xi32, #tpu.memory_space<vmem>>
      %dma_wait3A_92 = arith.constant 0 : i32
      %dma_wait3A_93 = tpu.memref_slice %arg4[%dma_wait3A_92] : memref<1000000xi32, #tpu.memory_space<hbm>> -> memref<1000000xi32, #tpu.memory_space<hbm>>
      tpu.wait_indirect_dma semaphore(%run_scoped3A_79 : memref<!tpu.dma_semaphore, #tpu.memory_space<semaphore_mem>>) src(%dma_wait3A_93 : memref<1000000xi32, #tpu.memory_space<hbm>>) dst(%dma_wait3A_88 : memref<128xi32, #tpu.memory_space<vmem>>)
      tpu.yield
    }) : () -> ()
    %run_scoped3A_6 = arith.constant 2 : i32
    %run_scoped3A_7 = arith.constant 2 : i32
    "tpu.region"() ({
      %run_scoped3A_79 = tpu.sem_alloc : memref<!tpu.dma_semaphore, #tpu.memory_space<semaphore_mem>>
      %dma_start3A = arith.constant 0 : i32
      %dma_start3A_80 = tpu.memref_slice %arg8[%run_scoped3A_7, %dma_start3A] : memref<8x128xi32, #tpu.memory_space<vmem>> -> memref<1x128xi32, #tpu.memory_space<vmem>>
      %dma_start3A_81 = tpu.memref_squeeze %dma_start3A_80 : memref<1x128xi32, #tpu.memory_space<vmem>> -> memref<128xi32, #tpu.memory_space<vmem>>
      %dma_start3A_82 = arith.constant 0 : i32
      %dma_start3A_83 = tpu.memref_slice %arg7[%run_scoped3A_6, %dma_start3A_82] : memref<8x128xi32, #tpu.memory_space<vmem>> -> memref<1x128xi32, #tpu.memory_space<vmem>>
      %dma_start3A_84 = tpu.memref_squeeze %dma_start3A_83 : memref<1x128xi32, #tpu.memory_space<vmem>> -> memref<128xi32, #tpu.memory_space<vmem>>
      %dma_start3A_85 = arith.constant 0 : i32
      %dma_start3A_86 = tpu.memref_slice %arg4[%dma_start3A_85] : memref<1000000xi32, #tpu.memory_space<hbm>> -> memref<1000000xi32, #tpu.memory_space<hbm>>
      tpu.enqueue_indirect_dma source(%dma_start3A_86 : memref<1000000xi32, #tpu.memory_space<hbm>>) target(%dma_start3A_81 : memref<128xi32, #tpu.memory_space<vmem>>) offsets(%dma_start3A_84 : memref<128xi32, #tpu.memory_space<vmem>>) semaphore(%run_scoped3A_79 : memref<!tpu.dma_semaphore, #tpu.memory_space<semaphore_mem>>)
      %dma_wait3A = arith.constant 0 : i32
      %dma_wait3A_87 = tpu.memref_slice %arg8[%run_scoped3A_7, %dma_wait3A] : memref<8x128xi32, #tpu.memory_space<vmem>> -> memref<1x128xi32, #tpu.memory_space<vmem>>
      %dma_wait3A_88 = tpu.memref_squeeze %dma_wait3A_87 : memref<1x128xi32, #tpu.memory_space<vmem>> -> memref<128xi32, #tpu.memory_space<vmem>>
      %dma_wait3A_89 = arith.constant 0 : i32
      %dma_wait3A_90 = tpu.memref_slice %arg7[%run_scoped3A_6, %dma_wait3A_89] : memref<8x128xi32, #tpu.memory_space<vmem>> -> memref<1x128xi32, #tpu.memory_space<vmem>>
      %dma_wait3A_91 = tpu.memref_squeeze %dma_wait3A_90 : memref<1x128xi32, #tpu.memory_space<vmem>> -> memref<128xi32, #tpu.memory_space<vmem>>
      %dma_wait3A_92 = arith.constant 0 : i32
      %dma_wait3A_93 = tpu.memref_slice %arg4[%dma_wait3A_92] : memref<1000000xi32, #tpu.memory_space<hbm>> -> memref<1000000xi32, #tpu.memory_space<hbm>>
      tpu.wait_indirect_dma semaphore(%run_scoped3A_79 : memref<!tpu.dma_semaphore, #tpu.memory_space<semaphore_mem>>) src(%dma_wait3A_93 : memref<1000000xi32, #tpu.memory_space<hbm>>) dst(%dma_wait3A_88 : memref<128xi32, #tpu.memory_space<vmem>>)
      tpu.yield
    }) : () -> ()
    %run_scoped3A_8 = arith.constant 3 : i32
    %run_scoped3A_9 = arith.constant 3 : i32
    "tpu.region"() ({
      %run_scoped3A_79 = tpu.sem_alloc : memref<!tpu.dma_semaphore, #tpu.memory_space<semaphore_mem>>
      %dma_start3A = arith.constant 0 : i32
      %dma_start3A_80 = tpu.memref_slice %arg8[%run_scoped3A_9, %dma_start3A] : memref<8x128xi32, #tpu.memory_space<vmem>> -> memref<1x128xi32, #tpu.memory_space<vmem>>
      %dma_start3A_81 = tpu.memref_squeeze %dma_start3A_80 : memref<1x128xi32, #tpu.memory_space<vmem>> -> memref<128xi32, #tpu.memory_space<vmem>>
      %dma_start3A_82 = arith.constant 0 : i32
      %dma_start3A_83 = tpu.memref_slice %arg7[%run_scoped3A_8, %dma_start3A_82] : memref<8x128xi32, #tpu.memory_space<vmem>> -> memref<1x128xi32, #tpu.memory_space<vmem>>
      %dma_start3A_84 = tpu.memref_squeeze %dma_start3A_83 : memref<1x128xi32, #tpu.memory_space<vmem>> -> memref<128xi32, #tpu.memory_space<vmem>>
      %dma_start3A_85 = arith.constant 0 : i32
      %dma_start3A_86 = tpu.memref_slice %arg4[%dma_start3A_85] : memref<1000000xi32, #tpu.memory_space<hbm>> -> memref<1000000xi32, #tpu.memory_space<hbm>>
      tpu.enqueue_indirect_dma source(%dma_start3A_86 : memref<1000000xi32, #tpu.memory_space<hbm>>) target(%dma_start3A_81 : memref<128xi32, #tpu.memory_space<vmem>>) offsets(%dma_start3A_84 : memref<128xi32, #tpu.memory_space<vmem>>) semaphore(%run_scoped3A_79 : memref<!tpu.dma_semaphore, #tpu.memory_space<semaphore_mem>>)
      %dma_wait3A = arith.constant 0 : i32
      %dma_wait3A_87 = tpu.memref_slice %arg8[%run_scoped3A_9, %dma_wait3A] : memref<8x128xi32, #tpu.memory_space<vmem>> -> memref<1x128xi32, #tpu.memory_space<vmem>>
      %dma_wait3A_88 = tpu.memref_squeeze %dma_wait3A_87 : memref<1x128xi32, #tpu.memory_space<vmem>> -> memref<128xi32, #tpu.memory_space<vmem>>
      %dma_wait3A_89 = arith.constant 0 : i32
      %dma_wait3A_90 = tpu.memref_slice %arg7[%run_scoped3A_8, %dma_wait3A_89] : memref<8x128xi32, #tpu.memory_space<vmem>> -> memref<1x128xi32, #tpu.memory_space<vmem>>
      %dma_wait3A_91 = tpu.memref_squeeze %dma_wait3A_90 : memref<1x128xi32, #tpu.memory_space<vmem>> -> memref<128xi32, #tpu.memory_space<vmem>>
      %dma_wait3A_92 = arith.constant 0 : i32
      %dma_wait3A_93 = tpu.memref_slice %arg4[%dma_wait3A_92] : memref<1000000xi32, #tpu.memory_space<hbm>> -> memref<1000000xi32, #tpu.memory_space<hbm>>
      tpu.wait_indirect_dma semaphore(%run_scoped3A_79 : memref<!tpu.dma_semaphore, #tpu.memory_space<semaphore_mem>>) src(%dma_wait3A_93 : memref<1000000xi32, #tpu.memory_space<hbm>>) dst(%dma_wait3A_88 : memref<128xi32, #tpu.memory_space<vmem>>)
      tpu.yield
    }) : () -> ()
    %run_scoped3A_10 = arith.constant 4 : i32
    %run_scoped3A_11 = arith.constant 4 : i32
    "tpu.region"() ({
      %run_scoped3A_79 = tpu.sem_alloc : memref<!tpu.dma_semaphore, #tpu.memory_space<semaphore_mem>>
      %dma_start3A = arith.constant 0 : i32
      %dma_start3A_80 = tpu.memref_slice %arg8[%run_scoped3A_11, %dma_start3A] : memref<8x128xi32, #tpu.memory_space<vmem>> -> memref<1x128xi32, #tpu.memory_space<vmem>>
      %dma_start3A_81 = tpu.memref_squeeze %dma_start3A_80 : memref<1x128xi32, #tpu.memory_space<vmem>> -> memref<128xi32, #tpu.memory_space<vmem>>
      %dma_start3A_82 = arith.constant 0 : i32
      %dma_start3A_83 = tpu.memref_slice %arg7[%run_scoped3A_10, %dma_start3A_82] : memref<8x128xi32, #tpu.memory_space<vmem>> -> memref<1x128xi32, #tpu.memory_space<vmem>>
      %dma_start3A_84 = tpu.memref_squeeze %dma_start3A_83 : memref<1x128xi32, #tpu.memory_space<vmem>> -> memref<128xi32, #tpu.memory_space<vmem>>
      %dma_start3A_85 = arith.constant 0 : i32
      %dma_start3A_86 = tpu.memref_slice %arg4[%dma_start3A_85] : memref<1000000xi32, #tpu.memory_space<hbm>> -> memref<1000000xi32, #tpu.memory_space<hbm>>
      tpu.enqueue_indirect_dma source(%dma_start3A_86 : memref<1000000xi32, #tpu.memory_space<hbm>>) target(%dma_start3A_81 : memref<128xi32, #tpu.memory_space<vmem>>) offsets(%dma_start3A_84 : memref<128xi32, #tpu.memory_space<vmem>>) semaphore(%run_scoped3A_79 : memref<!tpu.dma_semaphore, #tpu.memory_space<semaphore_mem>>)
      %dma_wait3A = arith.constant 0 : i32
      %dma_wait3A_87 = tpu.memref_slice %arg8[%run_scoped3A_11, %dma_wait3A] : memref<8x128xi32, #tpu.memory_space<vmem>> -> memref<1x128xi32, #tpu.memory_space<vmem>>
      %dma_wait3A_88 = tpu.memref_squeeze %dma_wait3A_87 : memref<1x128xi32, #tpu.memory_space<vmem>> -> memref<128xi32, #tpu.memory_space<vmem>>
      %dma_wait3A_89 = arith.constant 0 : i32
      %dma_wait3A_90 = tpu.memref_slice %arg7[%run_scoped3A_10, %dma_wait3A_89] : memref<8x128xi32, #tpu.memory_space<vmem>> -> memref<1x128xi32, #tpu.memory_space<vmem>>
      %dma_wait3A_91 = tpu.memref_squeeze %dma_wait3A_90 : memref<1x128xi32, #tpu.memory_space<vmem>> -> memref<128xi32, #tpu.memory_space<vmem>>
      %dma_wait3A_92 = arith.constant 0 : i32
      %dma_wait3A_93 = tpu.memref_slice %arg4[%dma_wait3A_92] : memref<1000000xi32, #tpu.memory_space<hbm>> -> memref<1000000xi32, #tpu.memory_space<hbm>>
      tpu.wait_indirect_dma semaphore(%run_scoped3A_79 : memref<!tpu.dma_semaphore, #tpu.memory_space<semaphore_mem>>) src(%dma_wait3A_93 : memref<1000000xi32, #tpu.memory_space<hbm>>) dst(%dma_wait3A_88 : memref<128xi32, #tpu.memory_space<vmem>>)
      tpu.yield
    }) : () -> ()
    %run_scoped3A_12 = arith.constant 5 : i32
    %run_scoped3A_13 = arith.constant 5 : i32
    "tpu.region"() ({
      %run_scoped3A_79 = tpu.sem_alloc : memref<!tpu.dma_semaphore, #tpu.memory_space<semaphore_mem>>
      %dma_start3A = arith.constant 0 : i32
      %dma_start3A_80 = tpu.memref_slice %arg8[%run_scoped3A_13, %dma_start3A] : memref<8x128xi32, #tpu.memory_space<vmem>> -> memref<1x128xi32, #tpu.memory_space<vmem>>
      %dma_start3A_81 = tpu.memref_squeeze %dma_start3A_80 : memref<1x128xi32, #tpu.memory_space<vmem>> -> memref<128xi32, #tpu.memory_space<vmem>>
      %dma_start3A_82 = arith.constant 0 : i32
      %dma_start3A_83 = tpu.memref_slice %arg7[%run_scoped3A_12, %dma_start3A_82] : memref<8x128xi32, #tpu.memory_space<vmem>> -> memref<1x128xi32, #tpu.memory_space<vmem>>
      %dma_start3A_84 = tpu.memref_squeeze %dma_start3A_83 : memref<1x128xi32, #tpu.memory_space<vmem>> -> memref<128xi32, #tpu.memory_space<vmem>>
      %dma_start3A_85 = arith.constant 0 : i32
      %dma_start3A_86 = tpu.memref_slice %arg4[%dma_start3A_85] : memref<1000000xi32, #tpu.memory_space<hbm>> -> memref<1000000xi32, #tpu.memory_space<hbm>>
      tpu.enqueue_indirect_dma source(%dma_start3A_86 : memref<1000000xi32, #tpu.memory_space<hbm>>) target(%dma_start3A_81 : memref<128xi32, #tpu.memory_space<vmem>>) offsets(%dma_start3A_84 : memref<128xi32, #tpu.memory_space<vmem>>) semaphore(%run_scoped3A_79 : memref<!tpu.dma_semaphore, #tpu.memory_space<semaphore_mem>>)
      %dma_wait3A = arith.constant 0 : i32
      %dma_wait3A_87 = tpu.memref_slice %arg8[%run_scoped3A_13, %dma_wait3A] : memref<8x128xi32, #tpu.memory_space<vmem>> -> memref<1x128xi32, #tpu.memory_space<vmem>>
      %dma_wait3A_88 = tpu.memref_squeeze %dma_wait3A_87 : memref<1x128xi32, #tpu.memory_space<vmem>> -> memref<128xi32, #tpu.memory_space<vmem>>
      %dma_wait3A_89 = arith.constant 0 : i32
      %dma_wait3A_90 = tpu.memref_slice %arg7[%run_scoped3A_12, %dma_wait3A_89] : memref<8x128xi32, #tpu.memory_space<vmem>> -> memref<1x128xi32, #tpu.memory_space<vmem>>
      %dma_wait3A_91 = tpu.memref_squeeze %dma_wait3A_90 : memref<1x128xi32, #tpu.memory_space<vmem>> -> memref<128xi32, #tpu.memory_space<vmem>>
      %dma_wait3A_92 = arith.constant 0 : i32
      %dma_wait3A_93 = tpu.memref_slice %arg4[%dma_wait3A_92] : memref<1000000xi32, #tpu.memory_space<hbm>> -> memref<1000000xi32, #tpu.memory_space<hbm>>
      tpu.wait_indirect_dma semaphore(%run_scoped3A_79 : memref<!tpu.dma_semaphore, #tpu.memory_space<semaphore_mem>>) src(%dma_wait3A_93 : memref<1000000xi32, #tpu.memory_space<hbm>>) dst(%dma_wait3A_88 : memref<128xi32, #tpu.memory_space<vmem>>)
      tpu.yield
    }) : () -> ()
    %run_scoped3A_14 = arith.constant 6 : i32
    %run_scoped3A_15 = arith.constant 6 : i32
    "tpu.region"() ({
      %run_scoped3A_79 = tpu.sem_alloc : memref<!tpu.dma_semaphore, #tpu.memory_space<semaphore_mem>>
      %dma_start3A = arith.constant 0 : i32
      %dma_start3A_80 = tpu.memref_slice %arg8[%run_scoped3A_15, %dma_start3A] : memref<8x128xi32, #tpu.memory_space<vmem>> -> memref<1x128xi32, #tpu.memory_space<vmem>>
      %dma_start3A_81 = tpu.memref_squeeze %dma_start3A_80 : memref<1x128xi32, #tpu.memory_space<vmem>> -> memref<128xi32, #tpu.memory_space<vmem>>
      %dma_start3A_82 = arith.constant 0 : i32
      %dma_start3A_83 = tpu.memref_slice %arg7[%run_scoped3A_14, %dma_start3A_82] : memref<8x128xi32, #tpu.memory_space<vmem>> -> memref<1x128xi32, #tpu.memory_space<vmem>>
      %dma_start3A_84 = tpu.memref_squeeze %dma_start3A_83 : memref<1x128xi32, #tpu.memory_space<vmem>> -> memref<128xi32, #tpu.memory_space<vmem>>
      %dma_start3A_85 = arith.constant 0 : i32
      %dma_start3A_86 = tpu.memref_slice %arg4[%dma_start3A_85] : memref<1000000xi32, #tpu.memory_space<hbm>> -> memref<1000000xi32, #tpu.memory_space<hbm>>
      tpu.enqueue_indirect_dma source(%dma_start3A_86 : memref<1000000xi32, #tpu.memory_space<hbm>>) target(%dma_start3A_81 : memref<128xi32, #tpu.memory_space<vmem>>) offsets(%dma_start3A_84 : memref<128xi32, #tpu.memory_space<vmem>>) semaphore(%run_scoped3A_79 : memref<!tpu.dma_semaphore, #tpu.memory_space<semaphore_mem>>)
      %dma_wait3A = arith.constant 0 : i32
      %dma_wait3A_87 = tpu.memref_slice %arg8[%run_scoped3A_15, %dma_wait3A] : memref<8x128xi32, #tpu.memory_space<vmem>> -> memref<1x128xi32, #tpu.memory_space<vmem>>
      %dma_wait3A_88 = tpu.memref_squeeze %dma_wait3A_87 : memref<1x128xi32, #tpu.memory_space<vmem>> -> memref<128xi32, #tpu.memory_space<vmem>>
      %dma_wait3A_89 = arith.constant 0 : i32
      %dma_wait3A_90 = tpu.memref_slice %arg7[%run_scoped3A_14, %dma_wait3A_89] : memref<8x128xi32, #tpu.memory_space<vmem>> -> memref<1x128xi32, #tpu.memory_space<vmem>>
      %dma_wait3A_91 = tpu.memref_squeeze %dma_wait3A_90 : memref<1x128xi32, #tpu.memory_space<vmem>> -> memref<128xi32, #tpu.memory_space<vmem>>
      %dma_wait3A_92 = arith.constant 0 : i32
      %dma_wait3A_93 = tpu.memref_slice %arg4[%dma_wait3A_92] : memref<1000000xi32, #tpu.memory_space<hbm>> -> memref<1000000xi32, #tpu.memory_space<hbm>>
      tpu.wait_indirect_dma semaphore(%run_scoped3A_79 : memref<!tpu.dma_semaphore, #tpu.memory_space<semaphore_mem>>) src(%dma_wait3A_93 : memref<1000000xi32, #tpu.memory_space<hbm>>) dst(%dma_wait3A_88 : memref<128xi32, #tpu.memory_space<vmem>>)
      tpu.yield
    }) : () -> ()
    %run_scoped3A_16 = arith.constant 7 : i32
    %run_scoped3A_17 = arith.constant 7 : i32
    "tpu.region"() ({
      %run_scoped3A_79 = tpu.sem_alloc : memref<!tpu.dma_semaphore, #tpu.memory_space<semaphore_mem>>
      %dma_start3A = arith.constant 0 : i32
      %dma_start3A_80 = tpu.memref_slice %arg8[%run_scoped3A_17, %dma_start3A] : memref<8x128xi32, #tpu.memory_space<vmem>> -> memref<1x128xi32, #tpu.memory_space<vmem>>
      %dma_start3A_81 = tpu.memref_squeeze %dma_start3A_80 : memref<1x128xi32, #tpu.memory_space<vmem>> -> memref<128xi32, #tpu.memory_space<vmem>>
      %dma_start3A_82 = arith.constant 0 : i32
      %dma_start3A_83 = tpu.memref_slice %arg7[%run_scoped3A_16, %dma_start3A_82] : memref<8x128xi32, #tpu.memory_space<vmem>> -> memref<1x128xi32, #tpu.memory_space<vmem>>
      %dma_start3A_84 = tpu.memref_squeeze %dma_start3A_83 : memref<1x128xi32, #tpu.memory_space<vmem>> -> memref<128xi32, #tpu.memory_space<vmem>>
      %dma_start3A_85 = arith.constant 0 : i32
      %dma_start3A_86 = tpu.memref_slice %arg4[%dma_start3A_85] : memref<1000000xi32, #tpu.memory_space<hbm>> -> memref<1000000xi32, #tpu.memory_space<hbm>>
      tpu.enqueue_indirect_dma source(%dma_start3A_86 : memref<1000000xi32, #tpu.memory_space<hbm>>) target(%dma_start3A_81 : memref<128xi32, #tpu.memory_space<vmem>>) offsets(%dma_start3A_84 : memref<128xi32, #tpu.memory_space<vmem>>) semaphore(%run_scoped3A_79 : memref<!tpu.dma_semaphore, #tpu.memory_space<semaphore_mem>>)
      %dma_wait3A = arith.constant 0 : i32
      %dma_wait3A_87 = tpu.memref_slice %arg8[%run_scoped3A_17, %dma_wait3A] : memref<8x128xi32, #tpu.memory_space<vmem>> -> memref<1x128xi32, #tpu.memory_space<vmem>>
      %dma_wait3A_88 = tpu.memref_squeeze %dma_wait3A_87 : memref<1x128xi32, #tpu.memory_space<vmem>> -> memref<128xi32, #tpu.memory_space<vmem>>
      %dma_wait3A_89 = arith.constant 0 : i32
      %dma_wait3A_90 = tpu.memref_slice %arg7[%run_scoped3A_16, %dma_wait3A_89] : memref<8x128xi32, #tpu.memory_space<vmem>> -> memref<1x128xi32, #tpu.memory_space<vmem>>
      %dma_wait3A_91 = tpu.memref_squeeze %dma_wait3A_90 : memref<1x128xi32, #tpu.memory_space<vmem>> -> memref<128xi32, #tpu.memory_space<vmem>>
      %dma_wait3A_92 = arith.constant 0 : i32
      %dma_wait3A_93 = tpu.memref_slice %arg4[%dma_wait3A_92] : memref<1000000xi32, #tpu.memory_space<hbm>> -> memref<1000000xi32, #tpu.memory_space<hbm>>
      tpu.wait_indirect_dma semaphore(%run_scoped3A_79 : memref<!tpu.dma_semaphore, #tpu.memory_space<semaphore_mem>>) src(%dma_wait3A_93 : memref<1000000xi32, #tpu.memory_space<hbm>>) dst(%dma_wait3A_88 : memref<128xi32, #tpu.memory_space<vmem>>)
      tpu.yield
    }) : () -> ()
    %scan3A = arith.constant 0 : i32
    %scan3A_18 = arith.constant 0 : i32
    %scan3A_19 = arith.constant 512 : i32
    %scan3A_20 = arith.addi %scan3A_18, %scan3A_19 : i32
    %scan3A_21 = arith.constant 1 : i32
    scf.for %scan3A_79 = %scan3A_18 to %scan3A_20 step %scan3A_21  : i32 {
      %jit3A = arith.constant 4 : i32
      %div3A = arith.divsi %scan3A_79, %jit3A : i32
      %sign3A = arith.constant 0 : i32
      %sign3A_80 = arith.cmpi sgt, %scan3A_79, %sign3A : i32
      %sign3A_81 = arith.extui %sign3A_80 : i1 to i32
      %sign3A_82 = arith.constant 0 : i32
      %sign3A_83 = arith.cmpi slt, %scan3A_79, %sign3A_82 : i32
      %sign3A_84 = arith.extui %sign3A_83 : i1 to i32
      %sign3A_85 = arith.subi %sign3A_81, %sign3A_84 : i32
      %sign3A_86 = arith.constant 0 : i32
      %sign3A_87 = arith.cmpi sgt, %jit3A, %sign3A_86 : i32
      %sign3A_88 = arith.extui %sign3A_87 : i1 to i32
      %sign3A_89 = arith.constant 0 : i32
      %sign3A_90 = arith.cmpi slt, %jit3A, %sign3A_89 : i32
      %sign3A_91 = arith.extui %sign3A_90 : i1 to i32
      %sign3A_92 = arith.subi %sign3A_88, %sign3A_91 : i32
      %ne3A = arith.cmpi ne, %sign3A_85, %sign3A_92 : i32
      %rem3A = arith.remsi %scan3A_79, %jit3A : i32
      %ne3A_93 = arith.constant 0 : i32
      %ne3A_94 = arith.cmpi ne, %rem3A, %ne3A_93 : i32
      %and3A = arith.andi %ne3A, %ne3A_94 : i1
      %sub3A = arith.constant 1 : i32
      %sub3A_95 = arith.subi %div3A, %sub3A : i32
      %select_n3A = arith.select %and3A, %sub3A_95, %div3A : i32
      %jit3A_96 = arith.constant 4 : i32
      %eq3A = arith.constant 0 : i32
      %eq3A_97 = arith.cmpi eq, %jit3A_96, %eq3A : i32
      %jit3A_98 = arith.constant 1 : i32
      %select_n3A_99 = arith.select %eq3A_97, %jit3A_98, %jit3A_96 : i32
      %rem3A_100 = arith.remsi %scan3A_79, %select_n3A_99 : i32
      %ne3A_101 = arith.constant 0 : i32
      %ne3A_102 = arith.cmpi ne, %rem3A_100, %ne3A_101 : i32
      %lt3A = arith.constant 0 : i32
      %lt3A_103 = arith.cmpi slt, %rem3A_100, %lt3A : i32
      %lt3A_104 = arith.constant 0 : i32
      %lt3A_105 = arith.cmpi slt, %select_n3A_99, %lt3A_104 : i32
      %ne3A_106 = arith.xori %lt3A_103, %lt3A_105 : i1
      %and3A_107 = arith.andi %ne3A_106, %ne3A_102 : i1
      %add3A_108 = arith.addi %rem3A_100, %select_n3A_99 : i32
      %select_n3A_109 = arith.select %and3A_107, %add3A_108, %rem3A_100 : i32
      %broadcast_in_dim3A = arith.constant 0.000000e+00 : f32
      %broadcast_in_dim3A_110 = vector.broadcast %broadcast_in_dim3A : f32 to vector<16xf32>
      %mul3A_111 = arith.constant 16 : i32
      %mul3A_112 = arith.muli %select_n3A_109, %mul3A_111 : i32
      %swap3A = arith.index_cast %select_n3A : i32 to index
      %swap3A_113 = arith.index_cast %mul3A_112 : i32 to index
      %swap3A_114 = tpu.vector_load %arg10[%swap3A, %swap3A_113] {strides = array<i32>} : memref<128x64xf32, #tpu.memory_space<vmem>>, vector<1x16xf32>,
      %swap3A_115 = vector.shape_cast %swap3A_114 : vector<1x16xf32> to vector<16xf32>
      %swap3A_116 = vector.shape_cast %broadcast_in_dim3A_110 : vector<16xf32> to vector<1x16xf32>
      tpu.vector_store %arg10[%swap3A, %swap3A_113], %swap3A_116 {strides = array<i32>} : memref<128x64xf32, #tpu.memory_space<vmem>>, vector<1x16xf32>,
    }
    %scan3A_22 = arith.constant 512 : i32
    %add3A = arith.constant 0 : i32
    %add3A_23 = arith.addi %mul3A_0, %add3A : i32
    "tpu.region"() ({
      %run_scoped3A_79 = tpu.sem_alloc : memref<!tpu.dma_semaphore, #tpu.memory_space<semaphore_mem>>
      %dma_start3A = arith.constant 0 : i32
      %dma_start3A_80 = tpu.memref_slice %arg11[%add3A_23, %dma_start3A] : memref<16384x64xf32, #tpu.memory_space<vmem_shared>> -> memref<128x64xf32, #tpu.memory_space<vmem_shared>>
      %dma_start3A_81 = arith.constant 0 : i32
      %dma_start3A_82 = tpu.memref_slice %arg11[%add3A_23, %dma_start3A_81] : memref<16384x64xf32, #tpu.memory_space<vmem_shared>> -> memref<128x64xf32, #tpu.memory_space<vmem_shared>>
      tpu.enqueue_dma source(%arg10 : memref<128x64xf32, #tpu.memory_space<vmem>>) target(%dma_start3A_82 : memref<128x64xf32, #tpu.memory_space<vmem_shared>>) target_semaphore(%run_scoped3A_79 : memref<!tpu.dma_semaphore, #tpu.memory_space<semaphore_mem>>)
      %dma_wait3A = arith.constant 0 : i32
      %dma_wait3A_83 = tpu.memref_slice %arg11[%add3A_23, %dma_wait3A] : memref<16384x64xf32, #tpu.memory_space<vmem_shared>> -> memref<128x64xf32, #tpu.memory_space<vmem_shared>>
      %dma_wait3A_84 = arith.constant 0 : i32
      %dma_wait3A_85 = tpu.memref_slice %arg11[%add3A_23, %dma_wait3A_84] : memref<16384x64xf32, #tpu.memory_space<vmem_shared>> -> memref<128x64xf32, #tpu.memory_space<vmem_shared>>
      tpu.wait_dma2 semaphore(%run_scoped3A_79 : memref<!tpu.dma_semaphore, #tpu.memory_space<semaphore_mem>>) src(%arg10 : memref<128x64xf32, #tpu.memory_space<vmem>>) dst(%dma_wait3A_85 : memref<128x64xf32, #tpu.memory_space<vmem_shared>>)
      tpu.yield
    }) : () -> ()
    %add3A_24 = arith.constant 128 : i32
    %add3A_25 = arith.addi %mul3A_0, %add3A_24 : i32
    "tpu.region"() ({
      %run_scoped3A_79 = tpu.sem_alloc : memref<!tpu.dma_semaphore, #tpu.memory_space<semaphore_mem>>
      %dma_start3A = arith.constant 0 : i32
      %dma_start3A_80 = tpu.memref_slice %arg11[%add3A_25, %dma_start3A] : memref<16384x64xf32, #tpu.memory_space<vmem_shared>> -> memref<128x64xf32, #tpu.memory_space<vmem_shared>>
      %dma_start3A_81 = arith.constant 0 : i32
      %dma_start3A_82 = tpu.memref_slice %arg11[%add3A_25, %dma_start3A_81] : memref<16384x64xf32, #tpu.memory_space<vmem_shared>> -> memref<128x64xf32, #tpu.memory_space<vmem_shared>>
      tpu.enqueue_dma source(%arg10 : memref<128x64xf32, #tpu.memory_space<vmem>>) target(%dma_start3A_82 : memref<128x64xf32, #tpu.memory_space<vmem_shared>>) target_semaphore(%run_scoped3A_79 : memref<!tpu.dma_semaphore, #tpu.memory_space<semaphore_mem>>)
      %dma_wait3A = arith.constant 0 : i32
      %dma_wait3A_83 = tpu.memref_slice %arg11[%add3A_25, %dma_wait3A] : memref<16384x64xf32, #tpu.memory_space<vmem_shared>> -> memref<128x64xf32, #tpu.memory_space<vmem_shared>>
      %dma_wait3A_84 = arith.constant 0 : i32
      %dma_wait3A_85 = tpu.memref_slice %arg11[%add3A_25, %dma_wait3A_84] : memref<16384x64xf32, #tpu.memory_space<vmem_shared>> -> memref<128x64xf32, #tpu.memory_space<vmem_shared>>
      tpu.wait_dma2 semaphore(%run_scoped3A_79 : memref<!tpu.dma_semaphore, #tpu.memory_space<semaphore_mem>>) src(%arg10 : memref<128x64xf32, #tpu.memory_space<vmem>>) dst(%dma_wait3A_85 : memref<128x64xf32, #tpu.memory_space<vmem_shared>>)
      tpu.yield
    }) : () -> ()
    %add3A_26 = arith.constant 256 : i32
    %add3A_27 = arith.addi %mul3A_0, %add3A_26 : i32
    "tpu.region"() ({
      %run_scoped3A_79 = tpu.sem_alloc : memref<!tpu.dma_semaphore, #tpu.memory_space<semaphore_mem>>
      %dma_start3A = arith.constant 0 : i32
      %dma_start3A_80 = tpu.memref_slice %arg11[%add3A_27, %dma_start3A] : memref<16384x64xf32, #tpu.memory_space<vmem_shared>> -> memref<128x64xf32, #tpu.memory_space<vmem_shared>>
      %dma_start3A_81 = arith.constant 0 : i32
      %dma_start3A_82 = tpu.memref_slice %arg11[%add3A_27, %dma_start3A_81] : memref<16384x64xf32, #tpu.memory_space<vmem_shared>> -> memref<128x64xf32, #tpu.memory_space<vmem_shared>>
      tpu.enqueue_dma source(%arg10 : memref<128x64xf32, #tpu.memory_space<vmem>>) target(%dma_start3A_82 : memref<128x64xf32, #tpu.memory_space<vmem_shared>>) target_semaphore(%run_scoped3A_79 : memref<!tpu.dma_semaphore, #tpu.memory_space<semaphore_mem>>)
      %dma_wait3A = arith.constant 0 : i32
      %dma_wait3A_83 = tpu.memref_slice %arg11[%add3A_27, %dma_wait3A] : memref<16384x64xf32, #tpu.memory_space<vmem_shared>> -> memref<128x64xf32, #tpu.memory_space<vmem_shared>>
      %dma_wait3A_84 = arith.constant 0 : i32
      %dma_wait3A_85 = tpu.memref_slice %arg11[%add3A_27, %dma_wait3A_84] : memref<16384x64xf32, #tpu.memory_space<vmem_shared>> -> memref<128x64xf32, #tpu.memory_space<vmem_shared>>
      tpu.wait_dma2 semaphore(%run_scoped3A_79 : memref<!tpu.dma_semaphore, #tpu.memory_space<semaphore_mem>>) src(%arg10 : memref<128x64xf32, #tpu.memory_space<vmem>>) dst(%dma_wait3A_85 : memref<128x64xf32, #tpu.memory_space<vmem_shared>>)
      tpu.yield
    }) : () -> ()
    %add3A_28 = arith.constant 384 : i32
    %add3A_29 = arith.addi %mul3A_0, %add3A_28 : i32
    "tpu.region"() ({
      %run_scoped3A_79 = tpu.sem_alloc : memref<!tpu.dma_semaphore, #tpu.memory_space<semaphore_mem>>
      %dma_start3A = arith.constant 0 : i32
      %dma_start3A_80 = tpu.memref_slice %arg11[%add3A_29, %dma_start3A] : memref<16384x64xf32, #tpu.memory_space<vmem_shared>> -> memref<128x64xf32, #tpu.memory_space<vmem_shared>>
      %dma_start3A_81 = arith.constant 0 : i32
      %dma_start3A_82 = tpu.memref_slice %arg11[%add3A_29, %dma_start3A_81] : memref<16384x64xf32, #tpu.memory_space<vmem_shared>> -> memref<128x64xf32, #tpu.memory_space<vmem_shared>>
      tpu.enqueue_dma source(%arg10 : memref<128x64xf32, #tpu.memory_space<vmem>>) target(%dma_start3A_82 : memref<128x64xf32, #tpu.memory_space<vmem_shared>>) target_semaphore(%run_scoped3A_79 : memref<!tpu.dma_semaphore, #tpu.memory_space<semaphore_mem>>)
      %dma_wait3A = arith.constant 0 : i32
      %dma_wait3A_83 = tpu.memref_slice %arg11[%add3A_29, %dma_wait3A] : memref<16384x64xf32, #tpu.memory_space<vmem_shared>> -> memref<128x64xf32, #tpu.memory_space<vmem_shared>>
      %dma_wait3A_84 = arith.constant 0 : i32
      %dma_wait3A_85 = tpu.memref_slice %arg11[%add3A_29, %dma_wait3A_84] : memref<16384x64xf32, #tpu.memory_space<vmem_shared>> -> memref<128x64xf32, #tpu.memory_space<vmem_shared>>
      tpu.wait_dma2 semaphore(%run_scoped3A_79 : memref<!tpu.dma_semaphore, #tpu.memory_space<semaphore_mem>>) src(%arg10 : memref<128x64xf32, #tpu.memory_space<vmem>>) dst(%dma_wait3A_85 : memref<128x64xf32, #tpu.memory_space<vmem_shared>>)
      tpu.yield
    }) : () -> ()
    %add3A_30 = arith.constant 512 : i32
    %add3A_31 = arith.addi %mul3A_0, %add3A_30 : i32
    "tpu.region"() ({
      %run_scoped3A_79 = tpu.sem_alloc : memref<!tpu.dma_semaphore, #tpu.memory_space<semaphore_mem>>
      %dma_start3A = arith.constant 0 : i32
      %dma_start3A_80 = tpu.memref_slice %arg11[%add3A_31, %dma_start3A] : memref<16384x64xf32, #tpu.memory_space<vmem_shared>> -> memref<128x64xf32, #tpu.memory_space<vmem_shared>>
      %dma_start3A_81 = arith.constant 0 : i32
      %dma_start3A_82 = tpu.memref_slice %arg11[%add3A_31, %dma_start3A_81] : memref<16384x64xf32, #tpu.memory_space<vmem_shared>> -> memref<128x64xf32, #tpu.memory_space<vmem_shared>>
      tpu.enqueue_dma source(%arg10 : memref<128x64xf32, #tpu.memory_space<vmem>>) target(%dma_start3A_82 : memref<128x64xf32, #tpu.memory_space<vmem_shared>>) target_semaphore(%run_scoped3A_79 : memref<!tpu.dma_semaphore, #tpu.memory_space<semaphore_mem>>)
      %dma_wait3A = arith.constant 0 : i32
      %dma_wait3A_83 = tpu.memref_slice %arg11[%add3A_31, %dma_wait3A] : memref<16384x64xf32, #tpu.memory_space<vmem_shared>> -> memref<128x64xf32, #tpu.memory_space<vmem_shared>>
      %dma_wait3A_84 = arith.constant 0 : i32
      %dma_wait3A_85 = tpu.memref_slice %arg11[%add3A_31, %dma_wait3A_84] : memref<16384x64xf32, #tpu.memory_space<vmem_shared>> -> memref<128x64xf32, #tpu.memory_space<vmem_shared>>
      tpu.wait_dma2 semaphore(%run_scoped3A_79 : memref<!tpu.dma_semaphore, #tpu.memory_space<semaphore_mem>>) src(%arg10 : memref<128x64xf32, #tpu.memory_space<vmem>>) dst(%dma_wait3A_85 : memref<128x64xf32, #tpu.memory_space<vmem_shared>>)
      tpu.yield
    }) : () -> ()
    %add3A_32 = arith.constant 640 : i32
    %add3A_33 = arith.addi %mul3A_0, %add3A_32 : i32
    "tpu.region"() ({
      %run_scoped3A_79 = tpu.sem_alloc : memref<!tpu.dma_semaphore, #tpu.memory_space<semaphore_mem>>
      %dma_start3A = arith.constant 0 : i32
      %dma_start3A_80 = tpu.memref_slice %arg11[%add3A_33, %dma_start3A] : memref<16384x64xf32, #tpu.memory_space<vmem_shared>> -> memref<128x64xf32, #tpu.memory_space<vmem_shared>>
      %dma_start3A_81 = arith.constant 0 : i32
      %dma_start3A_82 = tpu.memref_slice %arg11[%add3A_33, %dma_start3A_81] : memref<16384x64xf32, #tpu.memory_space<vmem_shared>> -> memref<128x64xf32, #tpu.memory_space<vmem_shared>>
      tpu.enqueue_dma source(%arg10 : memref<128x64xf32, #tpu.memory_space<vmem>>) target(%dma_start3A_82 : memref<128x64xf32, #tpu.memory_space<vmem_shared>>) target_semaphore(%run_scoped3A_79 : memref<!tpu.dma_semaphore, #tpu.memory_space<semaphore_mem>>)
      %dma_wait3A = arith.constant 0 : i32
      %dma_wait3A_83 = tpu.memref_slice %arg11[%add3A_33, %dma_wait3A] : memref<16384x64xf32, #tpu.memory_space<vmem_shared>> -> memref<128x64xf32, #tpu.memory_space<vmem_shared>>
      %dma_wait3A_84 = arith.constant 0 : i32
      %dma_wait3A_85 = tpu.memref_slice %arg11[%add3A_33, %dma_wait3A_84] : memref<16384x64xf32, #tpu.memory_space<vmem_shared>> -> memref<128x64xf32, #tpu.memory_space<vmem_shared>>
      tpu.wait_dma2 semaphore(%run_scoped3A_79 : memref<!tpu.dma_semaphore, #tpu.memory_space<semaphore_mem>>) src(%arg10 : memref<128x64xf32, #tpu.memory_space<vmem>>) dst(%dma_wait3A_85 : memref<128x64xf32, #tpu.memory_space<vmem_shared>>)
      tpu.yield
    }) : () -> ()
    %add3A_34 = arith.constant 768 : i32
    %add3A_35 = arith.addi %mul3A_0, %add3A_34 : i32
    "tpu.region"() ({
      %run_scoped3A_79 = tpu.sem_alloc : memref<!tpu.dma_semaphore, #tpu.memory_space<semaphore_mem>>
      %dma_start3A = arith.constant 0 : i32
      %dma_start3A_80 = tpu.memref_slice %arg11[%add3A_35, %dma_start3A] : memref<16384x64xf32, #tpu.memory_space<vmem_shared>> -> memref<128x64xf32, #tpu.memory_space<vmem_shared>>
      %dma_start3A_81 = arith.constant 0 : i32
      %dma_start3A_82 = tpu.memref_slice %arg11[%add3A_35, %dma_start3A_81] : memref<16384x64xf32, #tpu.memory_space<vmem_shared>> -> memref<128x64xf32, #tpu.memory_space<vmem_shared>>
      tpu.enqueue_dma source(%arg10 : memref<128x64xf32, #tpu.memory_space<vmem>>) target(%dma_start3A_82 : memref<128x64xf32, #tpu.memory_space<vmem_shared>>) target_semaphore(%run_scoped3A_79 : memref<!tpu.dma_semaphore, #tpu.memory_space<semaphore_mem>>)
      %dma_wait3A = arith.constant 0 : i32
      %dma_wait3A_83 = tpu.memref_slice %arg11[%add3A_35, %dma_wait3A] : memref<16384x64xf32, #tpu.memory_space<vmem_shared>> -> memref<128x64xf32, #tpu.memory_space<vmem_shared>>
      %dma_wait3A_84 = arith.constant 0 : i32
      %dma_wait3A_85 = tpu.memref_slice %arg11[%add3A_35, %dma_wait3A_84] : memref<16384x64xf32, #tpu.memory_space<vmem_shared>> -> memref<128x64xf32, #tpu.memory_space<vmem_shared>>
      tpu.wait_dma2 semaphore(%run_scoped3A_79 : memref<!tpu.dma_semaphore, #tpu.memory_space<semaphore_mem>>) src(%arg10 : memref<128x64xf32, #tpu.memory_space<vmem>>) dst(%dma_wait3A_85 : memref<128x64xf32, #tpu.memory_space<vmem_shared>>)
      tpu.yield
    }) : () -> ()
    %add3A_36 = arith.constant 896 : i32
    %add3A_37 = arith.addi %mul3A_0, %add3A_36 : i32
    "tpu.region"() ({
      %run_scoped3A_79 = tpu.sem_alloc : memref<!tpu.dma_semaphore, #tpu.memory_space<semaphore_mem>>
      %dma_start3A = arith.constant 0 : i32
      %dma_start3A_80 = tpu.memref_slice %arg11[%add3A_37, %dma_start3A] : memref<16384x64xf32, #tpu.memory_space<vmem_shared>> -> memref<128x64xf32, #tpu.memory_space<vmem_shared>>
      %dma_start3A_81 = arith.constant 0 : i32
      %dma_start3A_82 = tpu.memref_slice %arg11[%add3A_37, %dma_start3A_81] : memref<16384x64xf32, #tpu.memory_space<vmem_shared>> -> memref<128x64xf32, #tpu.memory_space<vmem_shared>>
      tpu.enqueue_dma source(%arg10 : memref<128x64xf32, #tpu.memory_space<vmem>>) target(%dma_start3A_82 : memref<128x64xf32, #tpu.memory_space<vmem_shared>>) target_semaphore(%run_scoped3A_79 : memref<!tpu.dma_semaphore, #tpu.memory_space<semaphore_mem>>)
      %dma_wait3A = arith.constant 0 : i32
      %dma_wait3A_83 = tpu.memref_slice %arg11[%add3A_37, %dma_wait3A] : memref<16384x64xf32, #tpu.memory_space<vmem_shared>> -> memref<128x64xf32, #tpu.memory_space<vmem_shared>>
      %dma_wait3A_84 = arith.constant 0 : i32
      %dma_wait3A_85 = tpu.memref_slice %arg11[%add3A_37, %dma_wait3A_84] : memref<16384x64xf32, #tpu.memory_space<vmem_shared>> -> memref<128x64xf32, #tpu.memory_space<vmem_shared>>
      tpu.wait_dma2 semaphore(%run_scoped3A_79 : memref<!tpu.dma_semaphore, #tpu.memory_space<semaphore_mem>>) src(%arg10 : memref<128x64xf32, #tpu.memory_space<vmem>>) dst(%dma_wait3A_85 : memref<128x64xf32, #tpu.memory_space<vmem_shared>>)
      tpu.yield
    }) : () -> ()
    %barrier3A = arith.constant 0 : index
    tpu.barrier barrier_id(%barrier3A)
    %add3A_38 = arith.constant 0 : i32
    %add3A_39 = arith.addi %mul3A_0, %add3A_38 : i32
    "tpu.region"() ({
      %run_scoped3A_79 = tpu.sem_alloc : memref<!tpu.dma_semaphore, #tpu.memory_space<semaphore_mem>>
      %dma_start3A = arith.constant 0 : i32
      %dma_start3A_80 = tpu.memref_slice %arg2[%add3A_39, %dma_start3A] : memref<16384x64xf32, #tpu.memory_space<hbm>> -> memref<128x64xf32, #tpu.memory_space<hbm>>
      %dma_start3A_81 = arith.constant 0 : i32
      %dma_start3A_82 = tpu.memref_slice %arg2[%add3A_39, %dma_start3A_81] : memref<16384x64xf32, #tpu.memory_space<hbm>> -> memref<128x64xf32, #tpu.memory_space<hbm>>
      tpu.enqueue_dma source(%dma_start3A_82 : memref<128x64xf32, #tpu.memory_space<hbm>>) target(%arg9 : memref<128x64xf32, #tpu.memory_space<vmem>>) target_semaphore(%run_scoped3A_79 : memref<!tpu.dma_semaphore, #tpu.memory_space<semaphore_mem>>)
      %dma_wait3A = arith.constant 0 : i32
      %dma_wait3A_83 = tpu.memref_slice %arg2[%add3A_39, %dma_wait3A] : memref<16384x64xf32, #tpu.memory_space<hbm>> -> memref<128x64xf32, #tpu.memory_space<hbm>>
      %dma_wait3A_84 = arith.constant 0 : i32
      %dma_wait3A_85 = tpu.memref_slice %arg2[%add3A_39, %dma_wait3A_84] : memref<16384x64xf32, #tpu.memory_space<hbm>> -> memref<128x64xf32, #tpu.memory_space<hbm>>
      tpu.wait_dma2 semaphore(%run_scoped3A_79 : memref<!tpu.dma_semaphore, #tpu.memory_space<semaphore_mem>>) src(%dma_wait3A_85 : memref<128x64xf32, #tpu.memory_space<hbm>>) dst(%arg9 : memref<128x64xf32, #tpu.memory_space<vmem>>)
      tpu.yield
    }) : () -> ()
    %run_scoped3A_40 = arith.constant 0 : i32
    "tpu.region"() ({
      %run_scoped3A_79 = tpu.sem_alloc : memref<!tpu.dma_semaphore, #tpu.memory_space<semaphore_mem>>
      %dma_start3A = arith.constant 0 : i32
      %dma_start3A_80 = tpu.memref_slice %arg8[%run_scoped3A_40, %dma_start3A] : memref<8x128xi32, #tpu.memory_space<vmem>> -> memref<1x128xi32, #tpu.memory_space<vmem>>
      %dma_start3A_81 = tpu.memref_squeeze %dma_start3A_80 : memref<1x128xi32, #tpu.memory_space<vmem>> -> memref<128xi32, #tpu.memory_space<vmem>>
      %dma_start3A_82 = arith.constant 0 : i32
      %dma_start3A_83 = arith.constant 0 : i32
      %dma_start3A_84 = tpu.memref_slice %arg11[%dma_start3A_82, %dma_start3A_83] : memref<16384x64xf32, #tpu.memory_space<vmem_shared>> -> memref<16384x64xf32, #tpu.memory_space<vmem_shared>>
      tpu.enqueue_indirect_dma source(%arg9 : memref<128x64xf32, #tpu.memory_space<vmem>>) target(%dma_start3A_84 : memref<16384x64xf32, #tpu.memory_space<vmem_shared>>) offsets(%dma_start3A_81 : memref<128xi32, #tpu.memory_space<vmem>>) semaphore(%run_scoped3A_79 : memref<!tpu.dma_semaphore, #tpu.memory_space<semaphore_mem>>) {add = true}
      %dma_wait3A = arith.constant 0 : i32
      %dma_wait3A_85 = tpu.memref_slice %arg8[%run_scoped3A_40, %dma_wait3A] : memref<8x128xi32, #tpu.memory_space<vmem>> -> memref<1x128xi32, #tpu.memory_space<vmem>>
      %dma_wait3A_86 = tpu.memref_squeeze %dma_wait3A_85 : memref<1x128xi32, #tpu.memory_space<vmem>> -> memref<128xi32, #tpu.memory_space<vmem>>
      %dma_wait3A_87 = arith.constant 0 : i32
      %dma_wait3A_88 = arith.constant 0 : i32
      %dma_wait3A_89 = tpu.memref_slice %arg11[%dma_wait3A_87, %dma_wait3A_88] : memref<16384x64xf32, #tpu.memory_space<vmem_shared>> -> memref<16384x64xf32, #tpu.memory_space<vmem_shared>>
      tpu.wait_indirect_dma semaphore(%run_scoped3A_79 : memref<!tpu.dma_semaphore, #tpu.memory_space<semaphore_mem>>) src(%arg9 : memref<128x64xf32, #tpu.memory_space<vmem>>) dst(%dma_wait3A_89 : memref<16384x64xf32, #tpu.memory_space<vmem_shared>>)
      tpu.yield
    }) : () -> ()
    %add3A_41 = arith.constant 128 : i32
    %add3A_42 = arith.addi %mul3A_0, %add3A_41 : i32
    "tpu.region"() ({
      %run_scoped3A_79 = tpu.sem_alloc : memref<!tpu.dma_semaphore, #tpu.memory_space<semaphore_mem>>
      %dma_start3A = arith.constant 0 : i32
      %dma_start3A_80 = tpu.memref_slice %arg2[%add3A_42, %dma_start3A] : memref<16384x64xf32, #tpu.memory_space<hbm>> -> memref<128x64xf32, #tpu.memory_space<hbm>>
      %dma_start3A_81 = arith.constant 0 : i32
      %dma_start3A_82 = tpu.memref_slice %arg2[%add3A_42, %dma_start3A_81] : memref<16384x64xf32, #tpu.memory_space<hbm>> -> memref<128x64xf32, #tpu.memory_space<hbm>>
      tpu.enqueue_dma source(%dma_start3A_82 : memref<128x64xf32, #tpu.memory_space<hbm>>) target(%arg9 : memref<128x64xf32, #tpu.memory_space<vmem>>) target_semaphore(%run_scoped3A_79 : memref<!tpu.dma_semaphore, #tpu.memory_space<semaphore_mem>>)
      %dma_wait3A = arith.constant 0 : i32
      %dma_wait3A_83 = tpu.memref_slice %arg2[%add3A_42, %dma_wait3A] : memref<16384x64xf32, #tpu.memory_space<hbm>> -> memref<128x64xf32, #tpu.memory_space<hbm>>
      %dma_wait3A_84 = arith.constant 0 : i32
      %dma_wait3A_85 = tpu.memref_slice %arg2[%add3A_42, %dma_wait3A_84] : memref<16384x64xf32, #tpu.memory_space<hbm>> -> memref<128x64xf32, #tpu.memory_space<hbm>>
      tpu.wait_dma2 semaphore(%run_scoped3A_79 : memref<!tpu.dma_semaphore, #tpu.memory_space<semaphore_mem>>) src(%dma_wait3A_85 : memref<128x64xf32, #tpu.memory_space<hbm>>) dst(%arg9 : memref<128x64xf32, #tpu.memory_space<vmem>>)
      tpu.yield
    }) : () -> ()
    %run_scoped3A_43 = arith.constant 1 : i32
    "tpu.region"() ({
      %run_scoped3A_79 = tpu.sem_alloc : memref<!tpu.dma_semaphore, #tpu.memory_space<semaphore_mem>>
      %dma_start3A = arith.constant 0 : i32
      %dma_start3A_80 = tpu.memref_slice %arg8[%run_scoped3A_43, %dma_start3A] : memref<8x128xi32, #tpu.memory_space<vmem>> -> memref<1x128xi32, #tpu.memory_space<vmem>>
      %dma_start3A_81 = tpu.memref_squeeze %dma_start3A_80 : memref<1x128xi32, #tpu.memory_space<vmem>> -> memref<128xi32, #tpu.memory_space<vmem>>
      %dma_start3A_82 = arith.constant 0 : i32
      %dma_start3A_83 = arith.constant 0 : i32
      %dma_start3A_84 = tpu.memref_slice %arg11[%dma_start3A_82, %dma_start3A_83] : memref<16384x64xf32, #tpu.memory_space<vmem_shared>> -> memref<16384x64xf32, #tpu.memory_space<vmem_shared>>
      tpu.enqueue_indirect_dma source(%arg9 : memref<128x64xf32, #tpu.memory_space<vmem>>) target(%dma_start3A_84 : memref<16384x64xf32, #tpu.memory_space<vmem_shared>>) offsets(%dma_start3A_81 : memref<128xi32, #tpu.memory_space<vmem>>) semaphore(%run_scoped3A_79 : memref<!tpu.dma_semaphore, #tpu.memory_space<semaphore_mem>>) {add = true}
      %dma_wait3A = arith.constant 0 : i32
      %dma_wait3A_85 = tpu.memref_slice %arg8[%run_scoped3A_43, %dma_wait3A] : memref<8x128xi32, #tpu.memory_space<vmem>> -> memref<1x128xi32, #tpu.memory_space<vmem>>
      %dma_wait3A_86 = tpu.memref_squeeze %dma_wait3A_85 : memref<1x128xi32, #tpu.memory_space<vmem>> -> memref<128xi32, #tpu.memory_space<vmem>>
      %dma_wait3A_87 = arith.constant 0 : i32
      %dma_wait3A_88 = arith.constant 0 : i32
      %dma_wait3A_89 = tpu.memref_slice %arg11[%dma_wait3A_87, %dma_wait3A_88] : memref<16384x64xf32, #tpu.memory_space<vmem_shared>> -> memref<16384x64xf32, #tpu.memory_space<vmem_shared>>
      tpu.wait_indirect_dma semaphore(%run_scoped3A_79 : memref<!tpu.dma_semaphore, #tpu.memory_space<semaphore_mem>>) src(%arg9 : memref<128x64xf32, #tpu.memory_space<vmem>>) dst(%dma_wait3A_89 : memref<16384x64xf32, #tpu.memory_space<vmem_shared>>)
      tpu.yield
    }) : () -> ()
    %add3A_44 = arith.constant 256 : i32
    %add3A_45 = arith.addi %mul3A_0, %add3A_44 : i32
    "tpu.region"() ({
      %run_scoped3A_79 = tpu.sem_alloc : memref<!tpu.dma_semaphore, #tpu.memory_space<semaphore_mem>>
      %dma_start3A = arith.constant 0 : i32
      %dma_start3A_80 = tpu.memref_slice %arg2[%add3A_45, %dma_start3A] : memref<16384x64xf32, #tpu.memory_space<hbm>> -> memref<128x64xf32, #tpu.memory_space<hbm>>
      %dma_start3A_81 = arith.constant 0 : i32
      %dma_start3A_82 = tpu.memref_slice %arg2[%add3A_45, %dma_start3A_81] : memref<16384x64xf32, #tpu.memory_space<hbm>> -> memref<128x64xf32, #tpu.memory_space<hbm>>
      tpu.enqueue_dma source(%dma_start3A_82 : memref<128x64xf32, #tpu.memory_space<hbm>>) target(%arg9 : memref<128x64xf32, #tpu.memory_space<vmem>>) target_semaphore(%run_scoped3A_79 : memref<!tpu.dma_semaphore, #tpu.memory_space<semaphore_mem>>)
      %dma_wait3A = arith.constant 0 : i32
      %dma_wait3A_83 = tpu.memref_slice %arg2[%add3A_45, %dma_wait3A] : memref<16384x64xf32, #tpu.memory_space<hbm>> -> memref<128x64xf32, #tpu.memory_space<hbm>>
      %dma_wait3A_84 = arith.constant 0 : i32
      %dma_wait3A_85 = tpu.memref_slice %arg2[%add3A_45, %dma_wait3A_84] : memref<16384x64xf32, #tpu.memory_space<hbm>> -> memref<128x64xf32, #tpu.memory_space<hbm>>
      tpu.wait_dma2 semaphore(%run_scoped3A_79 : memref<!tpu.dma_semaphore, #tpu.memory_space<semaphore_mem>>) src(%dma_wait3A_85 : memref<128x64xf32, #tpu.memory_space<hbm>>) dst(%arg9 : memref<128x64xf32, #tpu.memory_space<vmem>>)
      tpu.yield
    }) : () -> ()
    %run_scoped3A_46 = arith.constant 2 : i32
    "tpu.region"() ({
      %run_scoped3A_79 = tpu.sem_alloc : memref<!tpu.dma_semaphore, #tpu.memory_space<semaphore_mem>>
      %dma_start3A = arith.constant 0 : i32
      %dma_start3A_80 = tpu.memref_slice %arg8[%run_scoped3A_46, %dma_start3A] : memref<8x128xi32, #tpu.memory_space<vmem>> -> memref<1x128xi32, #tpu.memory_space<vmem>>
      %dma_start3A_81 = tpu.memref_squeeze %dma_start3A_80 : memref<1x128xi32, #tpu.memory_space<vmem>> -> memref<128xi32, #tpu.memory_space<vmem>>
      %dma_start3A_82 = arith.constant 0 : i32
      %dma_start3A_83 = arith.constant 0 : i32
      %dma_start3A_84 = tpu.memref_slice %arg11[%dma_start3A_82, %dma_start3A_83] : memref<16384x64xf32, #tpu.memory_space<vmem_shared>> -> memref<16384x64xf32, #tpu.memory_space<vmem_shared>>
      tpu.enqueue_indirect_dma source(%arg9 : memref<128x64xf32, #tpu.memory_space<vmem>>) target(%dma_start3A_84 : memref<16384x64xf32, #tpu.memory_space<vmem_shared>>) offsets(%dma_start3A_81 : memref<128xi32, #tpu.memory_space<vmem>>) semaphore(%run_scoped3A_79 : memref<!tpu.dma_semaphore, #tpu.memory_space<semaphore_mem>>) {add = true}
      %dma_wait3A = arith.constant 0 : i32
      %dma_wait3A_85 = tpu.memref_slice %arg8[%run_scoped3A_46, %dma_wait3A] : memref<8x128xi32, #tpu.memory_space<vmem>> -> memref<1x128xi32, #tpu.memory_space<vmem>>
      %dma_wait3A_86 = tpu.memref_squeeze %dma_wait3A_85 : memref<1x128xi32, #tpu.memory_space<vmem>> -> memref<128xi32, #tpu.memory_space<vmem>>
      %dma_wait3A_87 = arith.constant 0 : i32
      %dma_wait3A_88 = arith.constant 0 : i32
      %dma_wait3A_89 = tpu.memref_slice %arg11[%dma_wait3A_87, %dma_wait3A_88] : memref<16384x64xf32, #tpu.memory_space<vmem_shared>> -> memref<16384x64xf32, #tpu.memory_space<vmem_shared>>
      tpu.wait_indirect_dma semaphore(%run_scoped3A_79 : memref<!tpu.dma_semaphore, #tpu.memory_space<semaphore_mem>>) src(%arg9 : memref<128x64xf32, #tpu.memory_space<vmem>>) dst(%dma_wait3A_89 : memref<16384x64xf32, #tpu.memory_space<vmem_shared>>)
      tpu.yield
    }) : () -> ()
    %add3A_47 = arith.constant 384 : i32
    %add3A_48 = arith.addi %mul3A_0, %add3A_47 : i32
    "tpu.region"() ({
      %run_scoped3A_79 = tpu.sem_alloc : memref<!tpu.dma_semaphore, #tpu.memory_space<semaphore_mem>>
      %dma_start3A = arith.constant 0 : i32
      %dma_start3A_80 = tpu.memref_slice %arg2[%add3A_48, %dma_start3A] : memref<16384x64xf32, #tpu.memory_space<hbm>> -> memref<128x64xf32, #tpu.memory_space<hbm>>
      %dma_start3A_81 = arith.constant 0 : i32
      %dma_start3A_82 = tpu.memref_slice %arg2[%add3A_48, %dma_start3A_81] : memref<16384x64xf32, #tpu.memory_space<hbm>> -> memref<128x64xf32, #tpu.memory_space<hbm>>
      tpu.enqueue_dma source(%dma_start3A_82 : memref<128x64xf32, #tpu.memory_space<hbm>>) target(%arg9 : memref<128x64xf32, #tpu.memory_space<vmem>>) target_semaphore(%run_scoped3A_79 : memref<!tpu.dma_semaphore, #tpu.memory_space<semaphore_mem>>)
      %dma_wait3A = arith.constant 0 : i32
      %dma_wait3A_83 = tpu.memref_slice %arg2[%add3A_48, %dma_wait3A] : memref<16384x64xf32, #tpu.memory_space<hbm>> -> memref<128x64xf32, #tpu.memory_space<hbm>>
      %dma_wait3A_84 = arith.constant 0 : i32
      %dma_wait3A_85 = tpu.memref_slice %arg2[%add3A_48, %dma_wait3A_84] : memref<16384x64xf32, #tpu.memory_space<hbm>> -> memref<128x64xf32, #tpu.memory_space<hbm>>
      tpu.wait_dma2 semaphore(%run_scoped3A_79 : memref<!tpu.dma_semaphore, #tpu.memory_space<semaphore_mem>>) src(%dma_wait3A_85 : memref<128x64xf32, #tpu.memory_space<hbm>>) dst(%arg9 : memref<128x64xf32, #tpu.memory_space<vmem>>)
      tpu.yield
    }) : () -> ()
    %run_scoped3A_49 = arith.constant 3 : i32
    "tpu.region"() ({
      %run_scoped3A_79 = tpu.sem_alloc : memref<!tpu.dma_semaphore, #tpu.memory_space<semaphore_mem>>
      %dma_start3A = arith.constant 0 : i32
      %dma_start3A_80 = tpu.memref_slice %arg8[%run_scoped3A_49, %dma_start3A] : memref<8x128xi32, #tpu.memory_space<vmem>> -> memref<1x128xi32, #tpu.memory_space<vmem>>
      %dma_start3A_81 = tpu.memref_squeeze %dma_start3A_80 : memref<1x128xi32, #tpu.memory_space<vmem>> -> memref<128xi32, #tpu.memory_space<vmem>>
      %dma_start3A_82 = arith.constant 0 : i32
      %dma_start3A_83 = arith.constant 0 : i32
      %dma_start3A_84 = tpu.memref_slice %arg11[%dma_start3A_82, %dma_start3A_83] : memref<16384x64xf32, #tpu.memory_space<vmem_shared>> -> memref<16384x64xf32, #tpu.memory_space<vmem_shared>>
      tpu.enqueue_indirect_dma source(%arg9 : memref<128x64xf32, #tpu.memory_space<vmem>>) target(%dma_start3A_84 : memref<16384x64xf32, #tpu.memory_space<vmem_shared>>) offsets(%dma_start3A_81 : memref<128xi32, #tpu.memory_space<vmem>>) semaphore(%run_scoped3A_79 : memref<!tpu.dma_semaphore, #tpu.memory_space<semaphore_mem>>) {add = true}
      %dma_wait3A = arith.constant 0 : i32
      %dma_wait3A_85 = tpu.memref_slice %arg8[%run_scoped3A_49, %dma_wait3A] : memref<8x128xi32, #tpu.memory_space<vmem>> -> memref<1x128xi32, #tpu.memory_space<vmem>>
      %dma_wait3A_86 = tpu.memref_squeeze %dma_wait3A_85 : memref<1x128xi32, #tpu.memory_space<vmem>> -> memref<128xi32, #tpu.memory_space<vmem>>
      %dma_wait3A_87 = arith.constant 0 : i32
      %dma_wait3A_88 = arith.constant 0 : i32
      %dma_wait3A_89 = tpu.memref_slice %arg11[%dma_wait3A_87, %dma_wait3A_88] : memref<16384x64xf32, #tpu.memory_space<vmem_shared>> -> memref<16384x64xf32, #tpu.memory_space<vmem_shared>>
      tpu.wait_indirect_dma semaphore(%run_scoped3A_79 : memref<!tpu.dma_semaphore, #tpu.memory_space<semaphore_mem>>) src(%arg9 : memref<128x64xf32, #tpu.memory_space<vmem>>) dst(%dma_wait3A_89 : memref<16384x64xf32, #tpu.memory_space<vmem_shared>>)
      tpu.yield
    }) : () -> ()
    %add3A_50 = arith.constant 512 : i32
    %add3A_51 = arith.addi %mul3A_0, %add3A_50 : i32
    "tpu.region"() ({
      %run_scoped3A_79 = tpu.sem_alloc : memref<!tpu.dma_semaphore, #tpu.memory_space<semaphore_mem>>
      %dma_start3A = arith.constant 0 : i32
      %dma_start3A_80 = tpu.memref_slice %arg2[%add3A_51, %dma_start3A] : memref<16384x64xf32, #tpu.memory_space<hbm>> -> memref<128x64xf32, #tpu.memory_space<hbm>>
      %dma_start3A_81 = arith.constant 0 : i32
      %dma_start3A_82 = tpu.memref_slice %arg2[%add3A_51, %dma_start3A_81] : memref<16384x64xf32, #tpu.memory_space<hbm>> -> memref<128x64xf32, #tpu.memory_space<hbm>>
      tpu.enqueue_dma source(%dma_start3A_82 : memref<128x64xf32, #tpu.memory_space<hbm>>) target(%arg9 : memref<128x64xf32, #tpu.memory_space<vmem>>) target_semaphore(%run_scoped3A_79 : memref<!tpu.dma_semaphore, #tpu.memory_space<semaphore_mem>>)
      %dma_wait3A = arith.constant 0 : i32
      %dma_wait3A_83 = tpu.memref_slice %arg2[%add3A_51, %dma_wait3A] : memref<16384x64xf32, #tpu.memory_space<hbm>> -> memref<128x64xf32, #tpu.memory_space<hbm>>
      %dma_wait3A_84 = arith.constant 0 : i32
      %dma_wait3A_85 = tpu.memref_slice %arg2[%add3A_51, %dma_wait3A_84] : memref<16384x64xf32, #tpu.memory_space<hbm>> -> memref<128x64xf32, #tpu.memory_space<hbm>>
      tpu.wait_dma2 semaphore(%run_scoped3A_79 : memref<!tpu.dma_semaphore, #tpu.memory_space<semaphore_mem>>) src(%dma_wait3A_85 : memref<128x64xf32, #tpu.memory_space<hbm>>) dst(%arg9 : memref<128x64xf32, #tpu.memory_space<vmem>>)
      tpu.yield
    }) : () -> ()
    %run_scoped3A_52 = arith.constant 4 : i32
    "tpu.region"() ({
      %run_scoped3A_79 = tpu.sem_alloc : memref<!tpu.dma_semaphore, #tpu.memory_space<semaphore_mem>>
      %dma_start3A = arith.constant 0 : i32
      %dma_start3A_80 = tpu.memref_slice %arg8[%run_scoped3A_52, %dma_start3A] : memref<8x128xi32, #tpu.memory_space<vmem>> -> memref<1x128xi32, #tpu.memory_space<vmem>>
      %dma_start3A_81 = tpu.memref_squeeze %dma_start3A_80 : memref<1x128xi32, #tpu.memory_space<vmem>> -> memref<128xi32, #tpu.memory_space<vmem>>
      %dma_start3A_82 = arith.constant 0 : i32
      %dma_start3A_83 = arith.constant 0 : i32
      %dma_start3A_84 = tpu.memref_slice %arg11[%dma_start3A_82, %dma_start3A_83] : memref<16384x64xf32, #tpu.memory_space<vmem_shared>> -> memref<16384x64xf32, #tpu.memory_space<vmem_shared>>
      tpu.enqueue_indirect_dma source(%arg9 : memref<128x64xf32, #tpu.memory_space<vmem>>) target(%dma_start3A_84 : memref<16384x64xf32, #tpu.memory_space<vmem_shared>>) offsets(%dma_start3A_81 : memref<128xi32, #tpu.memory_space<vmem>>) semaphore(%run_scoped3A_79 : memref<!tpu.dma_semaphore, #tpu.memory_space<semaphore_mem>>) {add = true}
      %dma_wait3A = arith.constant 0 : i32
      %dma_wait3A_85 = tpu.memref_slice %arg8[%run_scoped3A_52, %dma_wait3A] : memref<8x128xi32, #tpu.memory_space<vmem>> -> memref<1x128xi32, #tpu.memory_space<vmem>>
      %dma_wait3A_86 = tpu.memref_squeeze %dma_wait3A_85 : memref<1x128xi32, #tpu.memory_space<vmem>> -> memref<128xi32, #tpu.memory_space<vmem>>
      %dma_wait3A_87 = arith.constant 0 : i32
      %dma_wait3A_88 = arith.constant 0 : i32
      %dma_wait3A_89 = tpu.memref_slice %arg11[%dma_wait3A_87, %dma_wait3A_88] : memref<16384x64xf32, #tpu.memory_space<vmem_shared>> -> memref<16384x64xf32, #tpu.memory_space<vmem_shared>>
      tpu.wait_indirect_dma semaphore(%run_scoped3A_79 : memref<!tpu.dma_semaphore, #tpu.memory_space<semaphore_mem>>) src(%arg9 : memref<128x64xf32, #tpu.memory_space<vmem>>) dst(%dma_wait3A_89 : memref<16384x64xf32, #tpu.memory_space<vmem_shared>>)
      tpu.yield
    }) : () -> ()
    %add3A_53 = arith.constant 640 : i32
    %add3A_54 = arith.addi %mul3A_0, %add3A_53 : i32
    "tpu.region"() ({
      %run_scoped3A_79 = tpu.sem_alloc : memref<!tpu.dma_semaphore, #tpu.memory_space<semaphore_mem>>
      %dma_start3A = arith.constant 0 : i32
      %dma_start3A_80 = tpu.memref_slice %arg2[%add3A_54, %dma_start3A] : memref<16384x64xf32, #tpu.memory_space<hbm>> -> memref<128x64xf32, #tpu.memory_space<hbm>>
      %dma_start3A_81 = arith.constant 0 : i32
      %dma_start3A_82 = tpu.memref_slice %arg2[%add3A_54, %dma_start3A_81] : memref<16384x64xf32, #tpu.memory_space<hbm>> -> memref<128x64xf32, #tpu.memory_space<hbm>>
      tpu.enqueue_dma source(%dma_start3A_82 : memref<128x64xf32, #tpu.memory_space<hbm>>) target(%arg9 : memref<128x64xf32, #tpu.memory_space<vmem>>) target_semaphore(%run_scoped3A_79 : memref<!tpu.dma_semaphore, #tpu.memory_space<semaphore_mem>>)
      %dma_wait3A = arith.constant 0 : i32
      %dma_wait3A_83 = tpu.memref_slice %arg2[%add3A_54, %dma_wait3A] : memref<16384x64xf32, #tpu.memory_space<hbm>> -> memref<128x64xf32, #tpu.memory_space<hbm>>
      %dma_wait3A_84 = arith.constant 0 : i32
      %dma_wait3A_85 = tpu.memref_slice %arg2[%add3A_54, %dma_wait3A_84] : memref<16384x64xf32, #tpu.memory_space<hbm>> -> memref<128x64xf32, #tpu.memory_space<hbm>>
      tpu.wait_dma2 semaphore(%run_scoped3A_79 : memref<!tpu.dma_semaphore, #tpu.memory_space<semaphore_mem>>) src(%dma_wait3A_85 : memref<128x64xf32, #tpu.memory_space<hbm>>) dst(%arg9 : memref<128x64xf32, #tpu.memory_space<vmem>>)
      tpu.yield
    }) : () -> ()
    %run_scoped3A_55 = arith.constant 5 : i32
    "tpu.region"() ({
      %run_scoped3A_79 = tpu.sem_alloc : memref<!tpu.dma_semaphore, #tpu.memory_space<semaphore_mem>>
      %dma_start3A = arith.constant 0 : i32
      %dma_start3A_80 = tpu.memref_slice %arg8[%run_scoped3A_55, %dma_start3A] : memref<8x128xi32, #tpu.memory_space<vmem>> -> memref<1x128xi32, #tpu.memory_space<vmem>>
      %dma_start3A_81 = tpu.memref_squeeze %dma_start3A_80 : memref<1x128xi32, #tpu.memory_space<vmem>> -> memref<128xi32, #tpu.memory_space<vmem>>
      %dma_start3A_82 = arith.constant 0 : i32
      %dma_start3A_83 = arith.constant 0 : i32
      %dma_start3A_84 = tpu.memref_slice %arg11[%dma_start3A_82, %dma_start3A_83] : memref<16384x64xf32, #tpu.memory_space<vmem_shared>> -> memref<16384x64xf32, #tpu.memory_space<vmem_shared>>
      tpu.enqueue_indirect_dma source(%arg9 : memref<128x64xf32, #tpu.memory_space<vmem>>) target(%dma_start3A_84 : memref<16384x64xf32, #tpu.memory_space<vmem_shared>>) offsets(%dma_start3A_81 : memref<128xi32, #tpu.memory_space<vmem>>) semaphore(%run_scoped3A_79 : memref<!tpu.dma_semaphore, #tpu.memory_space<semaphore_mem>>) {add = true}
      %dma_wait3A = arith.constant 0 : i32
      %dma_wait3A_85 = tpu.memref_slice %arg8[%run_scoped3A_55, %dma_wait3A] : memref<8x128xi32, #tpu.memory_space<vmem>> -> memref<1x128xi32, #tpu.memory_space<vmem>>
      %dma_wait3A_86 = tpu.memref_squeeze %dma_wait3A_85 : memref<1x128xi32, #tpu.memory_space<vmem>> -> memref<128xi32, #tpu.memory_space<vmem>>
      %dma_wait3A_87 = arith.constant 0 : i32
      %dma_wait3A_88 = arith.constant 0 : i32
      %dma_wait3A_89 = tpu.memref_slice %arg11[%dma_wait3A_87, %dma_wait3A_88] : memref<16384x64xf32, #tpu.memory_space<vmem_shared>> -> memref<16384x64xf32, #tpu.memory_space<vmem_shared>>
      tpu.wait_indirect_dma semaphore(%run_scoped3A_79 : memref<!tpu.dma_semaphore, #tpu.memory_space<semaphore_mem>>) src(%arg9 : memref<128x64xf32, #tpu.memory_space<vmem>>) dst(%dma_wait3A_89 : memref<16384x64xf32, #tpu.memory_space<vmem_shared>>)
      tpu.yield
    }) : () -> ()
    %add3A_56 = arith.constant 768 : i32
    %add3A_57 = arith.addi %mul3A_0, %add3A_56 : i32
    "tpu.region"() ({
      %run_scoped3A_79 = tpu.sem_alloc : memref<!tpu.dma_semaphore, #tpu.memory_space<semaphore_mem>>
      %dma_start3A = arith.constant 0 : i32
      %dma_start3A_80 = tpu.memref_slice %arg2[%add3A_57, %dma_start3A] : memref<16384x64xf32, #tpu.memory_space<hbm>> -> memref<128x64xf32, #tpu.memory_space<hbm>>
      %dma_start3A_81 = arith.constant 0 : i32
      %dma_start3A_82 = tpu.memref_slice %arg2[%add3A_57, %dma_start3A_81] : memref<16384x64xf32, #tpu.memory_space<hbm>> -> memref<128x64xf32, #tpu.memory_space<hbm>>
      tpu.enqueue_dma source(%dma_start3A_82 : memref<128x64xf32, #tpu.memory_space<hbm>>) target(%arg9 : memref<128x64xf32, #tpu.memory_space<vmem>>) target_semaphore(%run_scoped3A_79 : memref<!tpu.dma_semaphore, #tpu.memory_space<semaphore_mem>>)
      %dma_wait3A = arith.constant 0 : i32
      %dma_wait3A_83 = tpu.memref_slice %arg2[%add3A_57, %dma_wait3A] : memref<16384x64xf32, #tpu.memory_space<hbm>> -> memref<128x64xf32, #tpu.memory_space<hbm>>
      %dma_wait3A_84 = arith.constant 0 : i32
      %dma_wait3A_85 = tpu.memref_slice %arg2[%add3A_57, %dma_wait3A_84] : memref<16384x64xf32, #tpu.memory_space<hbm>> -> memref<128x64xf32, #tpu.memory_space<hbm>>
      tpu.wait_dma2 semaphore(%run_scoped3A_79 : memref<!tpu.dma_semaphore, #tpu.memory_space<semaphore_mem>>) src(%dma_wait3A_85 : memref<128x64xf32, #tpu.memory_space<hbm>>) dst(%arg9 : memref<128x64xf32, #tpu.memory_space<vmem>>)
      tpu.yield
    }) : () -> ()
    %run_scoped3A_58 = arith.constant 6 : i32
    "tpu.region"() ({
      %run_scoped3A_79 = tpu.sem_alloc : memref<!tpu.dma_semaphore, #tpu.memory_space<semaphore_mem>>
      %dma_start3A = arith.constant 0 : i32
      %dma_start3A_80 = tpu.memref_slice %arg8[%run_scoped3A_58, %dma_start3A] : memref<8x128xi32, #tpu.memory_space<vmem>> -> memref<1x128xi32, #tpu.memory_space<vmem>>
      %dma_start3A_81 = tpu.memref_squeeze %dma_start3A_80 : memref<1x128xi32, #tpu.memory_space<vmem>> -> memref<128xi32, #tpu.memory_space<vmem>>
      %dma_start3A_82 = arith.constant 0 : i32
      %dma_start3A_83 = arith.constant 0 : i32
      %dma_start3A_84 = tpu.memref_slice %arg11[%dma_start3A_82, %dma_start3A_83] : memref<16384x64xf32, #tpu.memory_space<vmem_shared>> -> memref<16384x64xf32, #tpu.memory_space<vmem_shared>>
      tpu.enqueue_indirect_dma source(%arg9 : memref<128x64xf32, #tpu.memory_space<vmem>>) target(%dma_start3A_84 : memref<16384x64xf32, #tpu.memory_space<vmem_shared>>) offsets(%dma_start3A_81 : memref<128xi32, #tpu.memory_space<vmem>>) semaphore(%run_scoped3A_79 : memref<!tpu.dma_semaphore, #tpu.memory_space<semaphore_mem>>) {add = true}
      %dma_wait3A = arith.constant 0 : i32
      %dma_wait3A_85 = tpu.memref_slice %arg8[%run_scoped3A_58, %dma_wait3A] : memref<8x128xi32, #tpu.memory_space<vmem>> -> memref<1x128xi32, #tpu.memory_space<vmem>>
      %dma_wait3A_86 = tpu.memref_squeeze %dma_wait3A_85 : memref<1x128xi32, #tpu.memory_space<vmem>> -> memref<128xi32, #tpu.memory_space<vmem>>
      %dma_wait3A_87 = arith.constant 0 : i32
      %dma_wait3A_88 = arith.constant 0 : i32
      %dma_wait3A_89 = tpu.memref_slice %arg11[%dma_wait3A_87, %dma_wait3A_88] : memref<16384x64xf32, #tpu.memory_space<vmem_shared>> -> memref<16384x64xf32, #tpu.memory_space<vmem_shared>>
      tpu.wait_indirect_dma semaphore(%run_scoped3A_79 : memref<!tpu.dma_semaphore, #tpu.memory_space<semaphore_mem>>) src(%arg9 : memref<128x64xf32, #tpu.memory_space<vmem>>) dst(%dma_wait3A_89 : memref<16384x64xf32, #tpu.memory_space<vmem_shared>>)
      tpu.yield
    }) : () -> ()
    %add3A_59 = arith.constant 896 : i32
    %add3A_60 = arith.addi %mul3A_0, %add3A_59 : i32
    "tpu.region"() ({
      %run_scoped3A_79 = tpu.sem_alloc : memref<!tpu.dma_semaphore, #tpu.memory_space<semaphore_mem>>
      %dma_start3A = arith.constant 0 : i32
      %dma_start3A_80 = tpu.memref_slice %arg2[%add3A_60, %dma_start3A] : memref<16384x64xf32, #tpu.memory_space<hbm>> -> memref<128x64xf32, #tpu.memory_space<hbm>>
      %dma_start3A_81 = arith.constant 0 : i32
      %dma_start3A_82 = tpu.memref_slice %arg2[%add3A_60, %dma_start3A_81] : memref<16384x64xf32, #tpu.memory_space<hbm>> -> memref<128x64xf32, #tpu.memory_space<hbm>>
      tpu.enqueue_dma source(%dma_start3A_82 : memref<128x64xf32, #tpu.memory_space<hbm>>) target(%arg9 : memref<128x64xf32, #tpu.memory_space<vmem>>) target_semaphore(%run_scoped3A_79 : memref<!tpu.dma_semaphore, #tpu.memory_space<semaphore_mem>>)
      %dma_wait3A = arith.constant 0 : i32
      %dma_wait3A_83 = tpu.memref_slice %arg2[%add3A_60, %dma_wait3A] : memref<16384x64xf32, #tpu.memory_space<hbm>> -> memref<128x64xf32, #tpu.memory_space<hbm>>
      %dma_wait3A_84 = arith.constant 0 : i32
      %dma_wait3A_85 = tpu.memref_slice %arg2[%add3A_60, %dma_wait3A_84] : memref<16384x64xf32, #tpu.memory_space<hbm>> -> memref<128x64xf32, #tpu.memory_space<hbm>>
      tpu.wait_dma2 semaphore(%run_scoped3A_79 : memref<!tpu.dma_semaphore, #tpu.memory_space<semaphore_mem>>) src(%dma_wait3A_85 : memref<128x64xf32, #tpu.memory_space<hbm>>) dst(%arg9 : memref<128x64xf32, #tpu.memory_space<vmem>>)
      tpu.yield
    }) : () -> ()
    %run_scoped3A_61 = arith.constant 7 : i32
    "tpu.region"() ({
      %run_scoped3A_79 = tpu.sem_alloc : memref<!tpu.dma_semaphore, #tpu.memory_space<semaphore_mem>>
      %dma_start3A = arith.constant 0 : i32
      %dma_start3A_80 = tpu.memref_slice %arg8[%run_scoped3A_61, %dma_start3A] : memref<8x128xi32, #tpu.memory_space<vmem>> -> memref<1x128xi32, #tpu.memory_space<vmem>>
      %dma_start3A_81 = tpu.memref_squeeze %dma_start3A_80 : memref<1x128xi32, #tpu.memory_space<vmem>> -> memref<128xi32, #tpu.memory_space<vmem>>
      %dma_start3A_82 = arith.constant 0 : i32
      %dma_start3A_83 = arith.constant 0 : i32
      %dma_start3A_84 = tpu.memref_slice %arg11[%dma_start3A_82, %dma_start3A_83] : memref<16384x64xf32, #tpu.memory_space<vmem_shared>> -> memref<16384x64xf32, #tpu.memory_space<vmem_shared>>
      tpu.enqueue_indirect_dma source(%arg9 : memref<128x64xf32, #tpu.memory_space<vmem>>) target(%dma_start3A_84 : memref<16384x64xf32, #tpu.memory_space<vmem_shared>>) offsets(%dma_start3A_81 : memref<128xi32, #tpu.memory_space<vmem>>) semaphore(%run_scoped3A_79 : memref<!tpu.dma_semaphore, #tpu.memory_space<semaphore_mem>>) {add = true}
      %dma_wait3A = arith.constant 0 : i32
      %dma_wait3A_85 = tpu.memref_slice %arg8[%run_scoped3A_61, %dma_wait3A] : memref<8x128xi32, #tpu.memory_space<vmem>> -> memref<1x128xi32, #tpu.memory_space<vmem>>
      %dma_wait3A_86 = tpu.memref_squeeze %dma_wait3A_85 : memref<1x128xi32, #tpu.memory_space<vmem>> -> memref<128xi32, #tpu.memory_space<vmem>>
      %dma_wait3A_87 = arith.constant 0 : i32
      %dma_wait3A_88 = arith.constant 0 : i32
      %dma_wait3A_89 = tpu.memref_slice %arg11[%dma_wait3A_87, %dma_wait3A_88] : memref<16384x64xf32, #tpu.memory_space<vmem_shared>> -> memref<16384x64xf32, #tpu.memory_space<vmem_shared>>
      tpu.wait_indirect_dma semaphore(%run_scoped3A_79 : memref<!tpu.dma_semaphore, #tpu.memory_space<semaphore_mem>>) src(%arg9 : memref<128x64xf32, #tpu.memory_space<vmem>>) dst(%dma_wait3A_89 : memref<16384x64xf32, #tpu.memory_space<vmem_shared>>)
      tpu.yield
    }) : () -> ()
    %barrier3A_62 = arith.constant 0 : index
    tpu.barrier barrier_id(%barrier3A_62)
    %run_scoped3A_63 = arith.constant 0 : i32
    "tpu.region"() ({
      %run_scoped3A_79 = tpu.sem_alloc : memref<!tpu.dma_semaphore, #tpu.memory_space<semaphore_mem>>
      %dma_start3A = arith.constant 0 : i32
      %dma_start3A_80 = tpu.memref_slice %arg8[%run_scoped3A_63, %dma_start3A] : memref<8x128xi32, #tpu.memory_space<vmem>> -> memref<1x128xi32, #tpu.memory_space<vmem>>
      %dma_start3A_81 = tpu.memref_squeeze %dma_start3A_80 : memref<1x128xi32, #tpu.memory_space<vmem>> -> memref<128xi32, #tpu.memory_space<vmem>>
      %dma_start3A_82 = arith.constant 0 : i32
      %dma_start3A_83 = arith.constant 0 : i32
      %dma_start3A_84 = tpu.memref_slice %arg11[%dma_start3A_82, %dma_start3A_83] : memref<16384x64xf32, #tpu.memory_space<vmem_shared>> -> memref<16384x64xf32, #tpu.memory_space<vmem_shared>>
      tpu.enqueue_indirect_dma source(%dma_start3A_84 : memref<16384x64xf32, #tpu.memory_space<vmem_shared>>) target(%arg9 : memref<128x64xf32, #tpu.memory_space<vmem>>) offsets(%dma_start3A_81 : memref<128xi32, #tpu.memory_space<vmem>>) semaphore(%run_scoped3A_79 : memref<!tpu.dma_semaphore, #tpu.memory_space<semaphore_mem>>)
      %dma_wait3A = arith.constant 0 : i32
      %dma_wait3A_85 = tpu.memref_slice %arg8[%run_scoped3A_63, %dma_wait3A] : memref<8x128xi32, #tpu.memory_space<vmem>> -> memref<1x128xi32, #tpu.memory_space<vmem>>
      %dma_wait3A_86 = tpu.memref_squeeze %dma_wait3A_85 : memref<1x128xi32, #tpu.memory_space<vmem>> -> memref<128xi32, #tpu.memory_space<vmem>>
      %dma_wait3A_87 = arith.constant 0 : i32
      %dma_wait3A_88 = arith.constant 0 : i32
      %dma_wait3A_89 = tpu.memref_slice %arg11[%dma_wait3A_87, %dma_wait3A_88] : memref<16384x64xf32, #tpu.memory_space<vmem_shared>> -> memref<16384x64xf32, #tpu.memory_space<vmem_shared>>
      tpu.wait_indirect_dma semaphore(%run_scoped3A_79 : memref<!tpu.dma_semaphore, #tpu.memory_space<semaphore_mem>>) src(%dma_wait3A_89 : memref<16384x64xf32, #tpu.memory_space<vmem_shared>>) dst(%arg9 : memref<128x64xf32, #tpu.memory_space<vmem>>)
      tpu.yield
    }) : () -> ()
    %run_scoped3A_64 = arith.constant 0 : i32
    "tpu.region"() ({
      %run_scoped3A_79 = tpu.sem_alloc : memref<!tpu.dma_semaphore, #tpu.memory_space<semaphore_mem>>
      %dma_start3A = arith.constant 0 : i32
      %dma_start3A_80 = tpu.memref_slice %arg7[%run_scoped3A_64, %dma_start3A] : memref<8x128xi32, #tpu.memory_space<vmem>> -> memref<1x128xi32, #tpu.memory_space<vmem>>
      %dma_start3A_81 = tpu.memref_squeeze %dma_start3A_80 : memref<1x128xi32, #tpu.memory_space<vmem>> -> memref<128xi32, #tpu.memory_space<vmem>>
      %dma_start3A_82 = arith.constant 0 : i32
      %dma_start3A_83 = arith.constant 0 : i32
      %dma_start3A_84 = tpu.memref_slice %arg5[%dma_start3A_82, %dma_start3A_83] : memref<1000000x64xf32, #tpu.memory_space<hbm>> -> memref<1000000x64xf32, #tpu.memory_space<hbm>>
      tpu.enqueue_indirect_dma source(%arg9 : memref<128x64xf32, #tpu.memory_space<vmem>>) target(%dma_start3A_84 : memref<1000000x64xf32, #tpu.memory_space<hbm>>) offsets(%dma_start3A_81 : memref<128xi32, #tpu.memory_space<vmem>>) semaphore(%run_scoped3A_79 : memref<!tpu.dma_semaphore, #tpu.memory_space<semaphore_mem>>)
      %dma_wait3A = arith.constant 0 : i32
      %dma_wait3A_85 = tpu.memref_slice %arg7[%run_scoped3A_64, %dma_wait3A] : memref<8x128xi32, #tpu.memory_space<vmem>> -> memref<1x128xi32, #tpu.memory_space<vmem>>
      %dma_wait3A_86 = tpu.memref_squeeze %dma_wait3A_85 : memref<1x128xi32, #tpu.memory_space<vmem>> -> memref<128xi32, #tpu.memory_space<vmem>>
      %dma_wait3A_87 = arith.constant 0 : i32
      %dma_wait3A_88 = arith.constant 0 : i32
      %dma_wait3A_89 = tpu.memref_slice %arg5[%dma_wait3A_87, %dma_wait3A_88] : memref<1000000x64xf32, #tpu.memory_space<hbm>> -> memref<1000000x64xf32, #tpu.memory_space<hbm>>
      tpu.wait_indirect_dma semaphore(%run_scoped3A_79 : memref<!tpu.dma_semaphore, #tpu.memory_space<semaphore_mem>>) src(%arg9 : memref<128x64xf32, #tpu.memory_space<vmem>>) dst(%dma_wait3A_89 : memref<1000000x64xf32, #tpu.memory_space<hbm>>)
      tpu.yield
    }) : () -> ()
    %run_scoped3A_65 = arith.constant 1 : i32
    "tpu.region"() ({
      %run_scoped3A_79 = tpu.sem_alloc : memref<!tpu.dma_semaphore, #tpu.memory_space<semaphore_mem>>
      %dma_start3A = arith.constant 0 : i32
      %dma_start3A_80 = tpu.memref_slice %arg8[%run_scoped3A_65, %dma_start3A] : memref<8x128xi32, #tpu.memory_space<vmem>> -> memref<1x128xi32, #tpu.memory_space<vmem>>
      %dma_start3A_81 = tpu.memref_squeeze %dma_start3A_80 : memref<1x128xi32, #tpu.memory_space<vmem>> -> memref<128xi32, #tpu.memory_space<vmem>>
      %dma_start3A_82 = arith.constant 0 : i32
      %dma_start3A_83 = arith.constant 0 : i32
      %dma_start3A_84 = tpu.memref_slice %arg11[%dma_start3A_82, %dma_start3A_83] : memref<16384x64xf32, #tpu.memory_space<vmem_shared>> -> memref<16384x64xf32, #tpu.memory_space<vmem_shared>>
      tpu.enqueue_indirect_dma source(%dma_start3A_84 : memref<16384x64xf32, #tpu.memory_space<vmem_shared>>) target(%arg9 : memref<128x64xf32, #tpu.memory_space<vmem>>) offsets(%dma_start3A_81 : memref<128xi32, #tpu.memory_space<vmem>>) semaphore(%run_scoped3A_79 : memref<!tpu.dma_semaphore, #tpu.memory_space<semaphore_mem>>)
      %dma_wait3A = arith.constant 0 : i32
      %dma_wait3A_85 = tpu.memref_slice %arg8[%run_scoped3A_65, %dma_wait3A] : memref<8x128xi32, #tpu.memory_space<vmem>> -> memref<1x128xi32, #tpu.memory_space<vmem>>
      %dma_wait3A_86 = tpu.memref_squeeze %dma_wait3A_85 : memref<1x128xi32, #tpu.memory_space<vmem>> -> memref<128xi32, #tpu.memory_space<vmem>>
      %dma_wait3A_87 = arith.constant 0 : i32
      %dma_wait3A_88 = arith.constant 0 : i32
      %dma_wait3A_89 = tpu.memref_slice %arg11[%dma_wait3A_87, %dma_wait3A_88] : memref<16384x64xf32, #tpu.memory_space<vmem_shared>> -> memref<16384x64xf32, #tpu.memory_space<vmem_shared>>
      tpu.wait_indirect_dma semaphore(%run_scoped3A_79 : memref<!tpu.dma_semaphore, #tpu.memory_space<semaphore_mem>>) src(%dma_wait3A_89 : memref<16384x64xf32, #tpu.memory_space<vmem_shared>>) dst(%arg9 : memref<128x64xf32, #tpu.memory_space<vmem>>)
      tpu.yield
    }) : () -> ()
    %run_scoped3A_66 = arith.constant 1 : i32
    "tpu.region"() ({
      %run_scoped3A_79 = tpu.sem_alloc : memref<!tpu.dma_semaphore, #tpu.memory_space<semaphore_mem>>
      %dma_start3A = arith.constant 0 : i32
      %dma_start3A_80 = tpu.memref_slice %arg7[%run_scoped3A_66, %dma_start3A] : memref<8x128xi32, #tpu.memory_space<vmem>> -> memref<1x128xi32, #tpu.memory_space<vmem>>
      %dma_start3A_81 = tpu.memref_squeeze %dma_start3A_80 : memref<1x128xi32, #tpu.memory_space<vmem>> -> memref<128xi32, #tpu.memory_space<vmem>>
      %dma_start3A_82 = arith.constant 0 : i32
      %dma_start3A_83 = arith.constant 0 : i32
      %dma_start3A_84 = tpu.memref_slice %arg5[%dma_start3A_82, %dma_start3A_83] : memref<1000000x64xf32, #tpu.memory_space<hbm>> -> memref<1000000x64xf32, #tpu.memory_space<hbm>>
      tpu.enqueue_indirect_dma source(%arg9 : memref<128x64xf32, #tpu.memory_space<vmem>>) target(%dma_start3A_84 : memref<1000000x64xf32, #tpu.memory_space<hbm>>) offsets(%dma_start3A_81 : memref<128xi32, #tpu.memory_space<vmem>>) semaphore(%run_scoped3A_79 : memref<!tpu.dma_semaphore, #tpu.memory_space<semaphore_mem>>)
      %dma_wait3A = arith.constant 0 : i32
      %dma_wait3A_85 = tpu.memref_slice %arg7[%run_scoped3A_66, %dma_wait3A] : memref<8x128xi32, #tpu.memory_space<vmem>> -> memref<1x128xi32, #tpu.memory_space<vmem>>
      %dma_wait3A_86 = tpu.memref_squeeze %dma_wait3A_85 : memref<1x128xi32, #tpu.memory_space<vmem>> -> memref<128xi32, #tpu.memory_space<vmem>>
      %dma_wait3A_87 = arith.constant 0 : i32
      %dma_wait3A_88 = arith.constant 0 : i32
      %dma_wait3A_89 = tpu.memref_slice %arg5[%dma_wait3A_87, %dma_wait3A_88] : memref<1000000x64xf32, #tpu.memory_space<hbm>> -> memref<1000000x64xf32, #tpu.memory_space<hbm>>
      tpu.wait_indirect_dma semaphore(%run_scoped3A_79 : memref<!tpu.dma_semaphore, #tpu.memory_space<semaphore_mem>>) src(%arg9 : memref<128x64xf32, #tpu.memory_space<vmem>>) dst(%dma_wait3A_89 : memref<1000000x64xf32, #tpu.memory_space<hbm>>)
      tpu.yield
    }) : () -> ()
    %run_scoped3A_67 = arith.constant 2 : i32
    "tpu.region"() ({
      %run_scoped3A_79 = tpu.sem_alloc : memref<!tpu.dma_semaphore, #tpu.memory_space<semaphore_mem>>
      %dma_start3A = arith.constant 0 : i32
      %dma_start3A_80 = tpu.memref_slice %arg8[%run_scoped3A_67, %dma_start3A] : memref<8x128xi32, #tpu.memory_space<vmem>> -> memref<1x128xi32, #tpu.memory_space<vmem>>
      %dma_start3A_81 = tpu.memref_squeeze %dma_start3A_80 : memref<1x128xi32, #tpu.memory_space<vmem>> -> memref<128xi32, #tpu.memory_space<vmem>>
      %dma_start3A_82 = arith.constant 0 : i32
      %dma_start3A_83 = arith.constant 0 : i32
      %dma_start3A_84 = tpu.memref_slice %arg11[%dma_start3A_82, %dma_start3A_83] : memref<16384x64xf32, #tpu.memory_space<vmem_shared>> -> memref<16384x64xf32, #tpu.memory_space<vmem_shared>>
      tpu.enqueue_indirect_dma source(%dma_start3A_84 : memref<16384x64xf32, #tpu.memory_space<vmem_shared>>) target(%arg9 : memref<128x64xf32, #tpu.memory_space<vmem>>) offsets(%dma_start3A_81 : memref<128xi32, #tpu.memory_space<vmem>>) semaphore(%run_scoped3A_79 : memref<!tpu.dma_semaphore, #tpu.memory_space<semaphore_mem>>)
      %dma_wait3A = arith.constant 0 : i32
      %dma_wait3A_85 = tpu.memref_slice %arg8[%run_scoped3A_67, %dma_wait3A] : memref<8x128xi32, #tpu.memory_space<vmem>> -> memref<1x128xi32, #tpu.memory_space<vmem>>
      %dma_wait3A_86 = tpu.memref_squeeze %dma_wait3A_85 : memref<1x128xi32, #tpu.memory_space<vmem>> -> memref<128xi32, #tpu.memory_space<vmem>>
      %dma_wait3A_87 = arith.constant 0 : i32
      %dma_wait3A_88 = arith.constant 0 : i32
      %dma_wait3A_89 = tpu.memref_slice %arg11[%dma_wait3A_87, %dma_wait3A_88] : memref<16384x64xf32, #tpu.memory_space<vmem_shared>> -> memref<16384x64xf32, #tpu.memory_space<vmem_shared>>
      tpu.wait_indirect_dma semaphore(%run_scoped3A_79 : memref<!tpu.dma_semaphore, #tpu.memory_space<semaphore_mem>>) src(%dma_wait3A_89 : memref<16384x64xf32, #tpu.memory_space<vmem_shared>>) dst(%arg9 : memref<128x64xf32, #tpu.memory_space<vmem>>)
      tpu.yield
    }) : () -> ()
    %run_scoped3A_68 = arith.constant 2 : i32
    "tpu.region"() ({
      %run_scoped3A_79 = tpu.sem_alloc : memref<!tpu.dma_semaphore, #tpu.memory_space<semaphore_mem>>
      %dma_start3A = arith.constant 0 : i32
      %dma_start3A_80 = tpu.memref_slice %arg7[%run_scoped3A_68, %dma_start3A] : memref<8x128xi32, #tpu.memory_space<vmem>> -> memref<1x128xi32, #tpu.memory_space<vmem>>
      %dma_start3A_81 = tpu.memref_squeeze %dma_start3A_80 : memref<1x128xi32, #tpu.memory_space<vmem>> -> memref<128xi32, #tpu.memory_space<vmem>>
      %dma_start3A_82 = arith.constant 0 : i32
      %dma_start3A_83 = arith.constant 0 : i32
      %dma_start3A_84 = tpu.memref_slice %arg5[%dma_start3A_82, %dma_start3A_83] : memref<1000000x64xf32, #tpu.memory_space<hbm>> -> memref<1000000x64xf32, #tpu.memory_space<hbm>>
      tpu.enqueue_indirect_dma source(%arg9 : memref<128x64xf32, #tpu.memory_space<vmem>>) target(%dma_start3A_84 : memref<1000000x64xf32, #tpu.memory_space<hbm>>) offsets(%dma_start3A_81 : memref<128xi32, #tpu.memory_space<vmem>>) semaphore(%run_scoped3A_79 : memref<!tpu.dma_semaphore, #tpu.memory_space<semaphore_mem>>)
      %dma_wait3A = arith.constant 0 : i32
      %dma_wait3A_85 = tpu.memref_slice %arg7[%run_scoped3A_68, %dma_wait3A] : memref<8x128xi32, #tpu.memory_space<vmem>> -> memref<1x128xi32, #tpu.memory_space<vmem>>
      %dma_wait3A_86 = tpu.memref_squeeze %dma_wait3A_85 : memref<1x128xi32, #tpu.memory_space<vmem>> -> memref<128xi32, #tpu.memory_space<vmem>>
      %dma_wait3A_87 = arith.constant 0 : i32
      %dma_wait3A_88 = arith.constant 0 : i32
      %dma_wait3A_89 = tpu.memref_slice %arg5[%dma_wait3A_87, %dma_wait3A_88] : memref<1000000x64xf32, #tpu.memory_space<hbm>> -> memref<1000000x64xf32, #tpu.memory_space<hbm>>
      tpu.wait_indirect_dma semaphore(%run_scoped3A_79 : memref<!tpu.dma_semaphore, #tpu.memory_space<semaphore_mem>>) src(%arg9 : memref<128x64xf32, #tpu.memory_space<vmem>>) dst(%dma_wait3A_89 : memref<1000000x64xf32, #tpu.memory_space<hbm>>)
      tpu.yield
    }) : () -> ()
    %run_scoped3A_69 = arith.constant 3 : i32
    "tpu.region"() ({
      %run_scoped3A_79 = tpu.sem_alloc : memref<!tpu.dma_semaphore, #tpu.memory_space<semaphore_mem>>
      %dma_start3A = arith.constant 0 : i32
      %dma_start3A_80 = tpu.memref_slice %arg8[%run_scoped3A_69, %dma_start3A] : memref<8x128xi32, #tpu.memory_space<vmem>> -> memref<1x128xi32, #tpu.memory_space<vmem>>
      %dma_start3A_81 = tpu.memref_squeeze %dma_start3A_80 : memref<1x128xi32, #tpu.memory_space<vmem>> -> memref<128xi32, #tpu.memory_space<vmem>>
      %dma_start3A_82 = arith.constant 0 : i32
      %dma_start3A_83 = arith.constant 0 : i32
      %dma_start3A_84 = tpu.memref_slice %arg11[%dma_start3A_82, %dma_start3A_83] : memref<16384x64xf32, #tpu.memory_space<vmem_shared>> -> memref<16384x64xf32, #tpu.memory_space<vmem_shared>>
      tpu.enqueue_indirect_dma source(%dma_start3A_84 : memref<16384x64xf32, #tpu.memory_space<vmem_shared>>) target(%arg9 : memref<128x64xf32, #tpu.memory_space<vmem>>) offsets(%dma_start3A_81 : memref<128xi32, #tpu.memory_space<vmem>>) semaphore(%run_scoped3A_79 : memref<!tpu.dma_semaphore, #tpu.memory_space<semaphore_mem>>)
      %dma_wait3A = arith.constant 0 : i32
      %dma_wait3A_85 = tpu.memref_slice %arg8[%run_scoped3A_69, %dma_wait3A] : memref<8x128xi32, #tpu.memory_space<vmem>> -> memref<1x128xi32, #tpu.memory_space<vmem>>
      %dma_wait3A_86 = tpu.memref_squeeze %dma_wait3A_85 : memref<1x128xi32, #tpu.memory_space<vmem>> -> memref<128xi32, #tpu.memory_space<vmem>>
      %dma_wait3A_87 = arith.constant 0 : i32
      %dma_wait3A_88 = arith.constant 0 : i32
      %dma_wait3A_89 = tpu.memref_slice %arg11[%dma_wait3A_87, %dma_wait3A_88] : memref<16384x64xf32, #tpu.memory_space<vmem_shared>> -> memref<16384x64xf32, #tpu.memory_space<vmem_shared>>
      tpu.wait_indirect_dma semaphore(%run_scoped3A_79 : memref<!tpu.dma_semaphore, #tpu.memory_space<semaphore_mem>>) src(%dma_wait3A_89 : memref<16384x64xf32, #tpu.memory_space<vmem_shared>>) dst(%arg9 : memref<128x64xf32, #tpu.memory_space<vmem>>)
      tpu.yield
    }) : () -> ()
    %run_scoped3A_70 = arith.constant 3 : i32
    "tpu.region"() ({
      %run_scoped3A_79 = tpu.sem_alloc : memref<!tpu.dma_semaphore, #tpu.memory_space<semaphore_mem>>
      %dma_start3A = arith.constant 0 : i32
      %dma_start3A_80 = tpu.memref_slice %arg7[%run_scoped3A_70, %dma_start3A] : memref<8x128xi32, #tpu.memory_space<vmem>> -> memref<1x128xi32, #tpu.memory_space<vmem>>
      %dma_start3A_81 = tpu.memref_squeeze %dma_start3A_80 : memref<1x128xi32, #tpu.memory_space<vmem>> -> memref<128xi32, #tpu.memory_space<vmem>>
      %dma_start3A_82 = arith.constant 0 : i32
      %dma_start3A_83 = arith.constant 0 : i32
      %dma_start3A_84 = tpu.memref_slice %arg5[%dma_start3A_82, %dma_start3A_83] : memref<1000000x64xf32, #tpu.memory_space<hbm>> -> memref<1000000x64xf32, #tpu.memory_space<hbm>>
      tpu.enqueue_indirect_dma source(%arg9 : memref<128x64xf32, #tpu.memory_space<vmem>>) target(%dma_start3A_84 : memref<1000000x64xf32, #tpu.memory_space<hbm>>) offsets(%dma_start3A_81 : memref<128xi32, #tpu.memory_space<vmem>>) semaphore(%run_scoped3A_79 : memref<!tpu.dma_semaphore, #tpu.memory_space<semaphore_mem>>)
      %dma_wait3A = arith.constant 0 : i32
      %dma_wait3A_85 = tpu.memref_slice %arg7[%run_scoped3A_70, %dma_wait3A] : memref<8x128xi32, #tpu.memory_space<vmem>> -> memref<1x128xi32, #tpu.memory_space<vmem>>
      %dma_wait3A_86 = tpu.memref_squeeze %dma_wait3A_85 : memref<1x128xi32, #tpu.memory_space<vmem>> -> memref<128xi32, #tpu.memory_space<vmem>>
      %dma_wait3A_87 = arith.constant 0 : i32
      %dma_wait3A_88 = arith.constant 0 : i32
      %dma_wait3A_89 = tpu.memref_slice %arg5[%dma_wait3A_87, %dma_wait3A_88] : memref<1000000x64xf32, #tpu.memory_space<hbm>> -> memref<1000000x64xf32, #tpu.memory_space<hbm>>
      tpu.wait_indirect_dma semaphore(%run_scoped3A_79 : memref<!tpu.dma_semaphore, #tpu.memory_space<semaphore_mem>>) src(%arg9 : memref<128x64xf32, #tpu.memory_space<vmem>>) dst(%dma_wait3A_89 : memref<1000000x64xf32, #tpu.memory_space<hbm>>)
      tpu.yield
    }) : () -> ()
    %run_scoped3A_71 = arith.constant 4 : i32
    "tpu.region"() ({
      %run_scoped3A_79 = tpu.sem_alloc : memref<!tpu.dma_semaphore, #tpu.memory_space<semaphore_mem>>
      %dma_start3A = arith.constant 0 : i32
      %dma_start3A_80 = tpu.memref_slice %arg8[%run_scoped3A_71, %dma_start3A] : memref<8x128xi32, #tpu.memory_space<vmem>> -> memref<1x128xi32, #tpu.memory_space<vmem>>
      %dma_start3A_81 = tpu.memref_squeeze %dma_start3A_80 : memref<1x128xi32, #tpu.memory_space<vmem>> -> memref<128xi32, #tpu.memory_space<vmem>>
      %dma_start3A_82 = arith.constant 0 : i32
      %dma_start3A_83 = arith.constant 0 : i32
      %dma_start3A_84 = tpu.memref_slice %arg11[%dma_start3A_82, %dma_start3A_83] : memref<16384x64xf32, #tpu.memory_space<vmem_shared>> -> memref<16384x64xf32, #tpu.memory_space<vmem_shared>>
      tpu.enqueue_indirect_dma source(%dma_start3A_84 : memref<16384x64xf32, #tpu.memory_space<vmem_shared>>) target(%arg9 : memref<128x64xf32, #tpu.memory_space<vmem>>) offsets(%dma_start3A_81 : memref<128xi32, #tpu.memory_space<vmem>>) semaphore(%run_scoped3A_79 : memref<!tpu.dma_semaphore, #tpu.memory_space<semaphore_mem>>)
      %dma_wait3A = arith.constant 0 : i32
      %dma_wait3A_85 = tpu.memref_slice %arg8[%run_scoped3A_71, %dma_wait3A] : memref<8x128xi32, #tpu.memory_space<vmem>> -> memref<1x128xi32, #tpu.memory_space<vmem>>
      %dma_wait3A_86 = tpu.memref_squeeze %dma_wait3A_85 : memref<1x128xi32, #tpu.memory_space<vmem>> -> memref<128xi32, #tpu.memory_space<vmem>>
      %dma_wait3A_87 = arith.constant 0 : i32
      %dma_wait3A_88 = arith.constant 0 : i32
      %dma_wait3A_89 = tpu.memref_slice %arg11[%dma_wait3A_87, %dma_wait3A_88] : memref<16384x64xf32, #tpu.memory_space<vmem_shared>> -> memref<16384x64xf32, #tpu.memory_space<vmem_shared>>
      tpu.wait_indirect_dma semaphore(%run_scoped3A_79 : memref<!tpu.dma_semaphore, #tpu.memory_space<semaphore_mem>>) src(%dma_wait3A_89 : memref<16384x64xf32, #tpu.memory_space<vmem_shared>>) dst(%arg9 : memref<128x64xf32, #tpu.memory_space<vmem>>)
      tpu.yield
    }) : () -> ()
    %run_scoped3A_72 = arith.constant 4 : i32
    "tpu.region"() ({
      %run_scoped3A_79 = tpu.sem_alloc : memref<!tpu.dma_semaphore, #tpu.memory_space<semaphore_mem>>
      %dma_start3A = arith.constant 0 : i32
      %dma_start3A_80 = tpu.memref_slice %arg7[%run_scoped3A_72, %dma_start3A] : memref<8x128xi32, #tpu.memory_space<vmem>> -> memref<1x128xi32, #tpu.memory_space<vmem>>
      %dma_start3A_81 = tpu.memref_squeeze %dma_start3A_80 : memref<1x128xi32, #tpu.memory_space<vmem>> -> memref<128xi32, #tpu.memory_space<vmem>>
      %dma_start3A_82 = arith.constant 0 : i32
      %dma_start3A_83 = arith.constant 0 : i32
      %dma_start3A_84 = tpu.memref_slice %arg5[%dma_start3A_82, %dma_start3A_83] : memref<1000000x64xf32, #tpu.memory_space<hbm>> -> memref<1000000x64xf32, #tpu.memory_space<hbm>>
      tpu.enqueue_indirect_dma source(%arg9 : memref<128x64xf32, #tpu.memory_space<vmem>>) target(%dma_start3A_84 : memref<1000000x64xf32, #tpu.memory_space<hbm>>) offsets(%dma_start3A_81 : memref<128xi32, #tpu.memory_space<vmem>>) semaphore(%run_scoped3A_79 : memref<!tpu.dma_semaphore, #tpu.memory_space<semaphore_mem>>)
      %dma_wait3A = arith.constant 0 : i32
      %dma_wait3A_85 = tpu.memref_slice %arg7[%run_scoped3A_72, %dma_wait3A] : memref<8x128xi32, #tpu.memory_space<vmem>> -> memref<1x128xi32, #tpu.memory_space<vmem>>
      %dma_wait3A_86 = tpu.memref_squeeze %dma_wait3A_85 : memref<1x128xi32, #tpu.memory_space<vmem>> -> memref<128xi32, #tpu.memory_space<vmem>>
      %dma_wait3A_87 = arith.constant 0 : i32
      %dma_wait3A_88 = arith.constant 0 : i32
      %dma_wait3A_89 = tpu.memref_slice %arg5[%dma_wait3A_87, %dma_wait3A_88] : memref<1000000x64xf32, #tpu.memory_space<hbm>> -> memref<1000000x64xf32, #tpu.memory_space<hbm>>
      tpu.wait_indirect_dma semaphore(%run_scoped3A_79 : memref<!tpu.dma_semaphore, #tpu.memory_space<semaphore_mem>>) src(%arg9 : memref<128x64xf32, #tpu.memory_space<vmem>>) dst(%dma_wait3A_89 : memref<1000000x64xf32, #tpu.memory_space<hbm>>)
      tpu.yield
    }) : () -> ()
    %run_scoped3A_73 = arith.constant 5 : i32
    "tpu.region"() ({
      %run_scoped3A_79 = tpu.sem_alloc : memref<!tpu.dma_semaphore, #tpu.memory_space<semaphore_mem>>
      %dma_start3A = arith.constant 0 : i32
      %dma_start3A_80 = tpu.memref_slice %arg8[%run_scoped3A_73, %dma_start3A] : memref<8x128xi32, #tpu.memory_space<vmem>> -> memref<1x128xi32, #tpu.memory_space<vmem>>
      %dma_start3A_81 = tpu.memref_squeeze %dma_start3A_80 : memref<1x128xi32, #tpu.memory_space<vmem>> -> memref<128xi32, #tpu.memory_space<vmem>>
      %dma_start3A_82 = arith.constant 0 : i32
      %dma_start3A_83 = arith.constant 0 : i32
      %dma_start3A_84 = tpu.memref_slice %arg11[%dma_start3A_82, %dma_start3A_83] : memref<16384x64xf32, #tpu.memory_space<vmem_shared>> -> memref<16384x64xf32, #tpu.memory_space<vmem_shared>>
      tpu.enqueue_indirect_dma source(%dma_start3A_84 : memref<16384x64xf32, #tpu.memory_space<vmem_shared>>) target(%arg9 : memref<128x64xf32, #tpu.memory_space<vmem>>) offsets(%dma_start3A_81 : memref<128xi32, #tpu.memory_space<vmem>>) semaphore(%run_scoped3A_79 : memref<!tpu.dma_semaphore, #tpu.memory_space<semaphore_mem>>)
      %dma_wait3A = arith.constant 0 : i32
      %dma_wait3A_85 = tpu.memref_slice %arg8[%run_scoped3A_73, %dma_wait3A] : memref<8x128xi32, #tpu.memory_space<vmem>> -> memref<1x128xi32, #tpu.memory_space<vmem>>
      %dma_wait3A_86 = tpu.memref_squeeze %dma_wait3A_85 : memref<1x128xi32, #tpu.memory_space<vmem>> -> memref<128xi32, #tpu.memory_space<vmem>>
      %dma_wait3A_87 = arith.constant 0 : i32
      %dma_wait3A_88 = arith.constant 0 : i32
      %dma_wait3A_89 = tpu.memref_slice %arg11[%dma_wait3A_87, %dma_wait3A_88] : memref<16384x64xf32, #tpu.memory_space<vmem_shared>> -> memref<16384x64xf32, #tpu.memory_space<vmem_shared>>
      tpu.wait_indirect_dma semaphore(%run_scoped3A_79 : memref<!tpu.dma_semaphore, #tpu.memory_space<semaphore_mem>>) src(%dma_wait3A_89 : memref<16384x64xf32, #tpu.memory_space<vmem_shared>>) dst(%arg9 : memref<128x64xf32, #tpu.memory_space<vmem>>)
      tpu.yield
    }) : () -> ()
    %run_scoped3A_74 = arith.constant 5 : i32
    "tpu.region"() ({
      %run_scoped3A_79 = tpu.sem_alloc : memref<!tpu.dma_semaphore, #tpu.memory_space<semaphore_mem>>
      %dma_start3A = arith.constant 0 : i32
      %dma_start3A_80 = tpu.memref_slice %arg7[%run_scoped3A_74, %dma_start3A] : memref<8x128xi32, #tpu.memory_space<vmem>> -> memref<1x128xi32, #tpu.memory_space<vmem>>
      %dma_start3A_81 = tpu.memref_squeeze %dma_start3A_80 : memref<1x128xi32, #tpu.memory_space<vmem>> -> memref<128xi32, #tpu.memory_space<vmem>>
      %dma_start3A_82 = arith.constant 0 : i32
      %dma_start3A_83 = arith.constant 0 : i32
      %dma_start3A_84 = tpu.memref_slice %arg5[%dma_start3A_82, %dma_start3A_83] : memref<1000000x64xf32, #tpu.memory_space<hbm>> -> memref<1000000x64xf32, #tpu.memory_space<hbm>>
      tpu.enqueue_indirect_dma source(%arg9 : memref<128x64xf32, #tpu.memory_space<vmem>>) target(%dma_start3A_84 : memref<1000000x64xf32, #tpu.memory_space<hbm>>) offsets(%dma_start3A_81 : memref<128xi32, #tpu.memory_space<vmem>>) semaphore(%run_scoped3A_79 : memref<!tpu.dma_semaphore, #tpu.memory_space<semaphore_mem>>)
      %dma_wait3A = arith.constant 0 : i32
      %dma_wait3A_85 = tpu.memref_slice %arg7[%run_scoped3A_74, %dma_wait3A] : memref<8x128xi32, #tpu.memory_space<vmem>> -> memref<1x128xi32, #tpu.memory_space<vmem>>
      %dma_wait3A_86 = tpu.memref_squeeze %dma_wait3A_85 : memref<1x128xi32, #tpu.memory_space<vmem>> -> memref<128xi32, #tpu.memory_space<vmem>>
      %dma_wait3A_87 = arith.constant 0 : i32
      %dma_wait3A_88 = arith.constant 0 : i32
      %dma_wait3A_89 = tpu.memref_slice %arg5[%dma_wait3A_87, %dma_wait3A_88] : memref<1000000x64xf32, #tpu.memory_space<hbm>> -> memref<1000000x64xf32, #tpu.memory_space<hbm>>
      tpu.wait_indirect_dma semaphore(%run_scoped3A_79 : memref<!tpu.dma_semaphore, #tpu.memory_space<semaphore_mem>>) src(%arg9 : memref<128x64xf32, #tpu.memory_space<vmem>>) dst(%dma_wait3A_89 : memref<1000000x64xf32, #tpu.memory_space<hbm>>)
      tpu.yield
    }) : () -> ()
    %run_scoped3A_75 = arith.constant 6 : i32
    "tpu.region"() ({
      %run_scoped3A_79 = tpu.sem_alloc : memref<!tpu.dma_semaphore, #tpu.memory_space<semaphore_mem>>
      %dma_start3A = arith.constant 0 : i32
      %dma_start3A_80 = tpu.memref_slice %arg8[%run_scoped3A_75, %dma_start3A] : memref<8x128xi32, #tpu.memory_space<vmem>> -> memref<1x128xi32, #tpu.memory_space<vmem>>
      %dma_start3A_81 = tpu.memref_squeeze %dma_start3A_80 : memref<1x128xi32, #tpu.memory_space<vmem>> -> memref<128xi32, #tpu.memory_space<vmem>>
      %dma_start3A_82 = arith.constant 0 : i32
      %dma_start3A_83 = arith.constant 0 : i32
      %dma_start3A_84 = tpu.memref_slice %arg11[%dma_start3A_82, %dma_start3A_83] : memref<16384x64xf32, #tpu.memory_space<vmem_shared>> -> memref<16384x64xf32, #tpu.memory_space<vmem_shared>>
      tpu.enqueue_indirect_dma source(%dma_start3A_84 : memref<16384x64xf32, #tpu.memory_space<vmem_shared>>) target(%arg9 : memref<128x64xf32, #tpu.memory_space<vmem>>) offsets(%dma_start3A_81 : memref<128xi32, #tpu.memory_space<vmem>>) semaphore(%run_scoped3A_79 : memref<!tpu.dma_semaphore, #tpu.memory_space<semaphore_mem>>)
      %dma_wait3A = arith.constant 0 : i32
      %dma_wait3A_85 = tpu.memref_slice %arg8[%run_scoped3A_75, %dma_wait3A] : memref<8x128xi32, #tpu.memory_space<vmem>> -> memref<1x128xi32, #tpu.memory_space<vmem>>
      %dma_wait3A_86 = tpu.memref_squeeze %dma_wait3A_85 : memref<1x128xi32, #tpu.memory_space<vmem>> -> memref<128xi32, #tpu.memory_space<vmem>>
      %dma_wait3A_87 = arith.constant 0 : i32
      %dma_wait3A_88 = arith.constant 0 : i32
      %dma_wait3A_89 = tpu.memref_slice %arg11[%dma_wait3A_87, %dma_wait3A_88] : memref<16384x64xf32, #tpu.memory_space<vmem_shared>> -> memref<16384x64xf32, #tpu.memory_space<vmem_shared>>
      tpu.wait_indirect_dma semaphore(%run_scoped3A_79 : memref<!tpu.dma_semaphore, #tpu.memory_space<semaphore_mem>>) src(%dma_wait3A_89 : memref<16384x64xf32, #tpu.memory_space<vmem_shared>>) dst(%arg9 : memref<128x64xf32, #tpu.memory_space<vmem>>)
      tpu.yield
    }) : () -> ()
    %run_scoped3A_76 = arith.constant 6 : i32
    "tpu.region"() ({
      %run_scoped3A_79 = tpu.sem_alloc : memref<!tpu.dma_semaphore, #tpu.memory_space<semaphore_mem>>
      %dma_start3A = arith.constant 0 : i32
      %dma_start3A_80 = tpu.memref_slice %arg7[%run_scoped3A_76, %dma_start3A] : memref<8x128xi32, #tpu.memory_space<vmem>> -> memref<1x128xi32, #tpu.memory_space<vmem>>
      %dma_start3A_81 = tpu.memref_squeeze %dma_start3A_80 : memref<1x128xi32, #tpu.memory_space<vmem>> -> memref<128xi32, #tpu.memory_space<vmem>>
      %dma_start3A_82 = arith.constant 0 : i32
      %dma_start3A_83 = arith.constant 0 : i32
      %dma_start3A_84 = tpu.memref_slice %arg5[%dma_start3A_82, %dma_start3A_83] : memref<1000000x64xf32, #tpu.memory_space<hbm>> -> memref<1000000x64xf32, #tpu.memory_space<hbm>>
      tpu.enqueue_indirect_dma source(%arg9 : memref<128x64xf32, #tpu.memory_space<vmem>>) target(%dma_start3A_84 : memref<1000000x64xf32, #tpu.memory_space<hbm>>) offsets(%dma_start3A_81 : memref<128xi32, #tpu.memory_space<vmem>>) semaphore(%run_scoped3A_79 : memref<!tpu.dma_semaphore, #tpu.memory_space<semaphore_mem>>)
      %dma_wait3A = arith.constant 0 : i32
      %dma_wait3A_85 = tpu.memref_slice %arg7[%run_scoped3A_76, %dma_wait3A] : memref<8x128xi32, #tpu.memory_space<vmem>> -> memref<1x128xi32, #tpu.memory_space<vmem>>
      %dma_wait3A_86 = tpu.memref_squeeze %dma_wait3A_85 : memref<1x128xi32, #tpu.memory_space<vmem>> -> memref<128xi32, #tpu.memory_space<vmem>>
      %dma_wait3A_87 = arith.constant 0 : i32
      %dma_wait3A_88 = arith.constant 0 : i32
      %dma_wait3A_89 = tpu.memref_slice %arg5[%dma_wait3A_87, %dma_wait3A_88] : memref<1000000x64xf32, #tpu.memory_space<hbm>> -> memref<1000000x64xf32, #tpu.memory_space<hbm>>
      tpu.wait_indirect_dma semaphore(%run_scoped3A_79 : memref<!tpu.dma_semaphore, #tpu.memory_space<semaphore_mem>>) src(%arg9 : memref<128x64xf32, #tpu.memory_space<vmem>>) dst(%dma_wait3A_89 : memref<1000000x64xf32, #tpu.memory_space<hbm>>)
      tpu.yield
    }) : () -> ()
    %run_scoped3A_77 = arith.constant 7 : i32
    "tpu.region"() ({
      %run_scoped3A_79 = tpu.sem_alloc : memref<!tpu.dma_semaphore, #tpu.memory_space<semaphore_mem>>
      %dma_start3A = arith.constant 0 : i32
      %dma_start3A_80 = tpu.memref_slice %arg8[%run_scoped3A_77, %dma_start3A] : memref<8x128xi32, #tpu.memory_space<vmem>> -> memref<1x128xi32, #tpu.memory_space<vmem>>
      %dma_start3A_81 = tpu.memref_squeeze %dma_start3A_80 : memref<1x128xi32, #tpu.memory_space<vmem>> -> memref<128xi32, #tpu.memory_space<vmem>>
      %dma_start3A_82 = arith.constant 0 : i32
      %dma_start3A_83 = arith.constant 0 : i32
      %dma_start3A_84 = tpu.memref_slice %arg11[%dma_start3A_82, %dma_start3A_83] : memref<16384x64xf32, #tpu.memory_space<vmem_shared>> -> memref<16384x64xf32, #tpu.memory_space<vmem_shared>>
      tpu.enqueue_indirect_dma source(%dma_start3A_84 : memref<16384x64xf32, #tpu.memory_space<vmem_shared>>) target(%arg9 : memref<128x64xf32, #tpu.memory_space<vmem>>) offsets(%dma_start3A_81 : memref<128xi32, #tpu.memory_space<vmem>>) semaphore(%run_scoped3A_79 : memref<!tpu.dma_semaphore, #tpu.memory_space<semaphore_mem>>)
      %dma_wait3A = arith.constant 0 : i32
      %dma_wait3A_85 = tpu.memref_slice %arg8[%run_scoped3A_77, %dma_wait3A] : memref<8x128xi32, #tpu.memory_space<vmem>> -> memref<1x128xi32, #tpu.memory_space<vmem>>
      %dma_wait3A_86 = tpu.memref_squeeze %dma_wait3A_85 : memref<1x128xi32, #tpu.memory_space<vmem>> -> memref<128xi32, #tpu.memory_space<vmem>>
      %dma_wait3A_87 = arith.constant 0 : i32
      %dma_wait3A_88 = arith.constant 0 : i32
      %dma_wait3A_89 = tpu.memref_slice %arg11[%dma_wait3A_87, %dma_wait3A_88] : memref<16384x64xf32, #tpu.memory_space<vmem_shared>> -> memref<16384x64xf32, #tpu.memory_space<vmem_shared>>
      tpu.wait_indirect_dma semaphore(%run_scoped3A_79 : memref<!tpu.dma_semaphore, #tpu.memory_space<semaphore_mem>>) src(%dma_wait3A_89 : memref<16384x64xf32, #tpu.memory_space<vmem_shared>>) dst(%arg9 : memref<128x64xf32, #tpu.memory_space<vmem>>)
      tpu.yield
    }) : () -> ()
    %run_scoped3A_78 = arith.constant 7 : i32
    "tpu.region"() ({
      %run_scoped3A_79 = tpu.sem_alloc : memref<!tpu.dma_semaphore, #tpu.memory_space<semaphore_mem>>
      %dma_start3A = arith.constant 0 : i32
      %dma_start3A_80 = tpu.memref_slice %arg7[%run_scoped3A_78, %dma_start3A] : memref<8x128xi32, #tpu.memory_space<vmem>> -> memref<1x128xi32, #tpu.memory_space<vmem>>
      %dma_start3A_81 = tpu.memref_squeeze %dma_start3A_80 : memref<1x128xi32, #tpu.memory_space<vmem>> -> memref<128xi32, #tpu.memory_space<vmem>>
      %dma_start3A_82 = arith.constant 0 : i32
      %dma_start3A_83 = arith.constant 0 : i32
      %dma_start3A_84 = tpu.memref_slice %arg5[%dma_start3A_82, %dma_start3A_83] : memref<1000000x64xf32, #tpu.memory_space<hbm>> -> memref<1000000x64xf32, #tpu.memory_space<hbm>>
      tpu.enqueue_indirect_dma source(%arg9 : memref<128x64xf32, #tpu.memory_space<vmem>>) target(%dma_start3A_84 : memref<1000000x64xf32, #tpu.memory_space<hbm>>) offsets(%dma_start3A_81 : memref<128xi32, #tpu.memory_space<vmem>>) semaphore(%run_scoped3A_79 : memref<!tpu.dma_semaphore, #tpu.memory_space<semaphore_mem>>)
      %dma_wait3A = arith.constant 0 : i32
      %dma_wait3A_85 = tpu.memref_slice %arg7[%run_scoped3A_78, %dma_wait3A] : memref<8x128xi32, #tpu.memory_space<vmem>> -> memref<1x128xi32, #tpu.memory_space<vmem>>
      %dma_wait3A_86 = tpu.memref_squeeze %dma_wait3A_85 : memref<1x128xi32, #tpu.memory_space<vmem>> -> memref<128xi32, #tpu.memory_space<vmem>>
      %dma_wait3A_87 = arith.constant 0 : i32
      %dma_wait3A_88 = arith.constant 0 : i32
      %dma_wait3A_89 = tpu.memref_slice %arg5[%dma_wait3A_87, %dma_wait3A_88] : memref<1000000x64xf32, #tpu.memory_space<hbm>> -> memref<1000000x64xf32, #tpu.memory_space<hbm>>
      tpu.wait_indirect_dma semaphore(%run_scoped3A_79 : memref<!tpu.dma_semaphore, #tpu.memory_space<semaphore_mem>>) src(%arg9 : memref<128x64xf32, #tpu.memory_space<vmem>>) dst(%dma_wait3A_89 : memref<1000000x64xf32, #tpu.memory_space<hbm>>)
      tpu.yield
    }) : () -> ()
    return
  }
}

</mosaic_0001>

<sc_bundles>
// kernel: kernel.4.cloned.1.call-start
scs
__scs_entry_jumppad:
0x0: {  	(pc) =	sbr.rel $0x88, $3  }
0x1: {  	(tag) =	ssettag $0x0;
	lr =	simm.s32 $0x1  }
0x2: {  	[smem:$0x3F9F] =	sst lr;
	_ =	strace $0xD0000000  }
0x3: {  	_ = 	snop  }
0x4: {  	_ = 	snop  }
0x5: {  	_ = 	snop  }
0x6: {  	_ = 	snop  }
0x7: {  	_ = 	snop  }
__scs_overlays_trampoline_lowered:
0x8: {  	[smem:$0x3FAE] =	sst s0  }
0x9: {  	[smem:$0x3FAF] =	sst s1  }
0xa: {  	[smem:$0x3FB0] =	sst s2  }
0xb: {  	[smem:$0x3FB1] =	sst s3  }
0xc: {  	[smem:$0x3FB2] =	sst s4  }
0xd: {  	[smem:$0x3FB3] =	sst s5  }
0xe: {  	[smem:$0x3FB4] =	sst s6  }
0xf: {  	[smem:$0x3FB5] =	sst s7  }
0x10: {  	[smem:$0x3FB6] =	sst s8  }
0x11: {  	[smem:$0x3FB7] =	sst s9;
	s0 =	simm.s32 @!p0 $0x0  }
0x12: {  	s1 =	sld [smem:$0x3F9D];
	s0 =	simm.s32 @p0 $0x1  }
0x13: {  	[smem:$0x3FB8] =	sst s0;
	s0 =	simm.s32 @!p1 $0x0  }
0x14: {  	s2 =	sld [smem:$0x3F9C];
	s0 =	simm.s32 @p1 $0x1  }
0x15: {  	[smem:$0x3FB9] =	sst s0;
	s0 =	simm.s32 @!p2 $0x0  }
0x16: {  	s3 =	sld [smem:$0x3FDB];
	s0 =	simm.s32 @p2 $0x1  }
0x17: {  	s4 =	simm.s32 $0x1BF5;
	[smem:$0x3FBB] =	sst s0  }
0x18: {  	s0 =	sld [smem:$0x3F9E];
	_ =	swait.ge [sflag:s4], $0x0  }
0x19: {  	s7 =	sld [smem:$0x3F9F]  }
0x1a: {  	s8 =	sadd.s32 $0xFFFFE003, lr  }
0x1b: {  	s9 =	sadd.s32 $0xFFFFFEF7, lr;
	s5 =	simm.s32 $0xFFFFFFFF;
	p2 =	slt.u32 s8, $0xFFFFF086  }
0x1c: {  	p1 =	slt.u32 s9, $0xF7A;
	s5 =	simm.s32 @!p2 $0x0  }
0x1d: {  	s5 =	simm.s32 @p1 $0x1;
	p0 =	seq.s32 s7, s2  }
0x1e: {  	s7 =	smul.u32 @!p0 $0xF7A, s2;
	p2 =	seq.s32 @!p0 s5, $0x0  }
0x1f: {  	s9 =	smul.u32 $0xF7A, s1;
	s8 =	simm.s32 @!p0 $0x1BF5;
	p2 =	por !p2, p0  }
0x20: {  	[sflag:s8] =	ssyncset.s32 @!p0 $0xFFFFF086;
	s6 =	sadd.s32 @!p0 s3, s7;
	s7 =	simm.s32 @!p0 $0x108  }
0x21: {  	s3 =	sadd.s32 s3, s9;
	s6 =	sadd.s32 @!p0 $0x88, s6;
	s7 =	simm.s32 @p2 $0x1082  }
0x22: {  	[simem:s7], [sflag:s8] =	dma.local @!p0 [hbm:s6], $0xF7A  }
0x23: {  	s9 =	sor.u32 $0xD0000000, s2;
	s6 =	simm.s32 $0x108;
	_ =	swait.ge @!p0 [sflag:s8], $0x0  }
0x24: {  	s3 =	sadd.s32 $0x88, s3;
	s6 =	simm.s32 @!p1 $0x1082;
	[sflag:s4] =	ssyncset.s32 $0xFFFFF086  }
0x25: {  	[simem:s6], [sflag:s4] =	dma.local [hbm:s3], $0xF7A  }
0x26: {  	[smem:$0x3F9F] =	sst s1;
	(tag) =	ssettag s2;
	_ =	strace s9  }
0x27: {  	s1 =	sld [smem:$0x3FAF]  }
0x28: {  	s2 =	sld [smem:$0x3FB0]  }
0x29: {  	s4 =	sld [smem:$0x3FB2]  }
0x2a: {  	p0 =	seq.s32 s5, $0x0;
	s5 =	sld [smem:$0x3FB3]  }
0x2b: {  	s6 =	sld [smem:$0x3FB4]  }
0x2c: {  	s7 =	sld [smem:$0x3FB5]  }
0x2d: {  	s3 =	simm.s32 $0x108;
	s8 =	sld [smem:$0x3FB6]  }
0x2e: {  	s3 =	simm.s32 @!p0 $0x1082;
	s9 =	sld [smem:$0x3FB7]  }
0x2f: {  	lr =	sadd.s32 s0, s3;
	s0 =	sld [smem:$0x3FAE]  }
0x30: {  	s3 =	sld [smem:$0x3FB1]  }
0x31: {  	[smem:$0x3FBA] =	sst s10  }
0x32: {  	s10 =	sld [smem:$0x3FB8];
	_ =	sdelay $0x3  }
0x33: {  	p0 =	seq.s32 s10, $0x1;
	s10 =	sld [smem:$0x3FBA];
	_ =	sdelay $0x3  }
0x34: {  	[smem:$0x3FBA] =	sst s10  }
0x35: {  	s10 =	sld [smem:$0x3FB9];
	_ =	sdelay $0x3  }
0x36: {  	p1 =	seq.s32 s10, $0x1;
	s10 =	sld [smem:$0x3FBA];
	_ =	sdelay $0x3  }
0x37: {  	[smem:$0x3FBA] =	sst s10  }
0x38: {  	s10 =	sld [smem:$0x3FBB]  }
0x39: {  	_ = 	snop;
	(pc) =	sbr.ind lr, $3  }
0x3a: {  	_ = 	snop  }
0x3b: {  	_ = 	snop  }
0x3c: {  	p2 =	seq.s32 s10, $0x1;
	s10 =	sld [smem:$0x3FBA]  }
0x3d: {  	_ =	shalt  }
0x3e: {  	_ =	shalt  }
0x3f: {  	_ =	shalt  }
0x40: {  	_ =	shalt  }
0x41: {  	_ =	shalt  }
0x42: {  	_ =	shalt  }
0x43: {  	_ =	shalt  }
0x44: {  	_ =	shalt  }
0x45: {  	_ =	shalt  }
0x46: {  	_ =	shalt  }
0x47: {  	_ =	shalt  }
0x48: {  	_ =	shalt  }
0x49: {  	_ =	shalt  }
0x4a: {  	_ =	shalt  }
0x4b: {  	_ =	shalt  }
0x4c: {  	_ =	shalt  }
0x4d: {  	_ =	shalt  }
0x4e: {  	_ =	shalt  }
0x4f: {  	_ =	shalt  }
0x50: {  	_ =	shalt  }
0x51: {  	_ =	shalt  }
0x52: {  	_ =	shalt  }
0x53: {  	_ =	shalt  }
0x54: {  	_ =	shalt  }
0x55: {  	_ =	shalt  }
0x56: {  	_ =	shalt  }
0x57: {  	_ =	shalt  }
0x58: {  	_ =	shalt  }
0x59: {  	_ =	shalt  }
0x5a: {  	_ =	shalt  }
0x5b: {  	_ =	shalt  }
0x5c: {  	_ =	shalt  }
0x5d: {  	_ =	shalt  }
0x5e: {  	_ =	shalt  }
0x5f: {  	_ =	shalt  }
0x60: {  	_ =	shalt  }
0x61: {  	_ =	shalt  }
0x62: {  	_ =	shalt  }
0x63: {  	_ =	shalt  }
0x64: {  	_ =	shalt  }
0x65: {  	_ =	shalt  }
0x66: {  	_ =	shalt  }
0x67: {  	_ =	shalt  }
0x68: {  	_ =	shalt  }
0x69: {  	_ =	shalt  }
0x6a: {  	_ =	shalt  }
0x6b: {  	_ =	shalt  }
0x6c: {  	_ =	shalt  }
0x6d: {  	_ =	shalt  }
0x6e: {  	_ =	shalt  }
0x6f: {  	_ =	shalt  }
0x70: {  	_ =	shalt  }
0x71: {  	_ =	shalt  }
0x72: {  	_ =	shalt  }
0x73: {  	_ =	shalt  }
0x74: {  	_ =	shalt  }
0x75: {  	_ =	shalt  }
0x76: {  	_ =	shalt  }
0x77: {  	_ =	shalt  }
0x78: {  	_ =	shalt  }
0x79: {  	_ =	shalt  }
0x7a: {  	_ =	shalt  }
0x7b: {  	_ =	shalt  }
0x7c: {  	_ =	shalt  }
0x7d: {  	_ =	shalt  }
0x7e: {  	_ =	shalt  }
0x7f: {  	_ =	shalt  }
0x80: {  	_ =	shalt  }
0x81: {  	_ =	shalt  }
0x82: {  	_ =	shalt  }
0x83: {  	_ =	shalt  }
0x84: {  	_ =	shalt  }
0x85: {  	_ =	shalt  }
0x86: {  	_ =	shalt  }
0x87: {  	_ =	shalt  }
.Lfunc_end0:
.L_simem_size_0:
called_computation.1_lowered:
.L_overlay_start_0:
0x88: {  	s0 =	sld [smem:$0x3FD9]  }
0x89: {  	s1 =	sld [smem:$0x3FFE];
	_ =	sdelay $0x3  }
0x8a: {  	s0 =	sadd.s32 s1, s0  }
0x8b: {  	[smem:$0x3FC6] =	sst s0  }
0x8c: {  	_ = 	snop  }
0x8d: {  	s0 =	sld [smem:$0x3FC8];
	(tm) =	ssettm $0x1  }
0x8e: {  	s16 =	sld [smem:$0x3FFB];
	_ =	sdelay $0x3  }
0x8f: {  	_ =	strace s16  }
0x90: {  	s1 =	sld [smem:$0x3FFC];
	_ =	sdelay $0x3  }
0x91: {  	_ =	strace s1  }
0x92: {  	s1 =	sld [smem:$0x3FFD];
	_ =	sdelay $0x3  }
0x93: {  	_ =	strace s1  }
0x94: {  	_ =	strace $0x8FFFFFFF  }
0x95: {  	s17 =	sld [smem:$0x3FDB];
	_ =	sdelay $0x1  }
0x96: {  	s2 =	simm.s32 $_scs_section_size  }
0x97: {  	s3 =	simm.s32 $_size__tile_overlayer_lowered;
	s4 =	simm.s32 $_tile_overlayer_lowered  }
0x98: {  	s20 =	simm.s32 $0x1BFF;
	s19 =	sshll.u32 s4, $0x1;
	s1 =	sadd.s32 s2, s17  }
0x99: {  	s5 =	simm.s32 $0x0;
	s18 =	sshll.u32 s3, $0x1;
	s3 =	sadd.s32 s19, s1  }
0x9a: {  	[timem:s5], [sflag:s20] =	dma.local [hbm:s3], s18  }
0x9b: {  	_ =	swait.ge [sflag:s20], s18  }
0x9c: {  	s2 =	ssub.s32 $0x0, s18;
	[sflag:s20] =	ssyncset.done $0x0  }
0x9d: {  	[sflag:s20] =	ssyncadd.s32 s2;
	_ =	sdelay $0x1  }
0x9e: {  	s21 =	simm.s32 $0x1B8B  }
0x9f: {  	_ =	swait.ge [sflag:s21], $0x1  }
0xa0: {  	[sflag:s21] =	ssyncset.done $0x0  }
0xa1: {  	s23 =	simm.s32 $0x1B8E;
	s22 =	sld [smem:$0x3FFE];
	[sflag:s21] =	ssyncadd.s32 $0xFFFFFFFF  }
0xa2: {  	s24 =	simm.s32 $execute0_lowered;
	[smem:$0x3FD2] =	sst s23  }
0xa3: {  	s3 =	sshll.u32 s24, $0x1;
	_ =	strace $0x80000046;
	[dreg:$0x1] =	wrdreg $0xFFFFFFFF  }
0xa4: {  	s25 =	simm.s32 $_size_execute0_lowered;
	s1 =	sadd.s32 s1, s3;
	[dreg:$0x0] =	wrdreg $0x0  }
0xa5: {  	s3 =	sshll.u32 s25, $0x1;
	[dreg:$0x2] =	wrdreg s1  }
0xa6: {  	[dreg:$0x3] =	wrdreg s3  }
0xa7: {  	[dreg:$0x4] =	wrdreg $0xC0  }
0xa8: {  	_ =	task [dreg:s5], $0x5FFFF  }
0xa9: {  	[dreg:$0x1] =	wrdreg $0xFFFFFFFF  }
0xaa: {  	[dreg:$0x0] =	wrdreg $0x60  }
0xab: {  	[dreg:$0x2] =	wrdreg s0  }
0xac: {  	[dreg:$0x3] =	wrdreg s22  }
0xad: {  	[dreg:$0x4] =	wrdreg $0x9  }
0xae: {  	_ =	task.clear_ibuf [dreg:s5], $0x5FFFF;
	_ =	strace $0x90000046  }
0xaf: {  	s26 =	simm.s32 $0x9;
	_ =	strace $0x80000048  }
0xb0: {  	_ =	swait.ge [sflag:s26], $0x1  }
0xb1: {  	[sflag:s26] =	ssyncadd.s32 $0xFFFFFFFF  }
0xb2: {  	_ =	strace $0x90000048  }
0xb3: {  	_ =	sfence  }
0xb4: {  	s28 =	sld [smem:$0x0];
	_ =	sdelay $0x1  }
0xb5: {  	s29 =	srdreg.scid  }
0xb6: {  	s30 =	sshll.u32 s29, $0xD;
	s31 =	sshrl.u32 s29, $0x2  }
0xb7: {  	s2 =	sand.u32 $0x4000, s30;
	s1 =	sand.u32 $0x1, s29;
	s0 =	sadd.s32 s31, s28  }
0xb8: {  	s1 =	sor.u32 s2, s1;
	s0 =	sshll.u32 s0, $0x11  }
0xb9: {  	s0 =	sor.u32 s0, s1  }
0xba: {  	s0 =	sadd.s32 $0x8F2B, s0  }
0xbb: {  	[sflag:s0] =	ssyncadd.remote.s32 $0x1  }
0xbc: {  	_ =	sfence.sel $0xFFFF  }
0xbd: {  	[dreg:$0x0] =	wrdreg $0xFFFFFFFF;
	(pc) =	sbr.abs _section_cstart, $3  }
0xbe: {  	[dreg:$0x1] =	wrdreg $0xFFFFFFFF  }
0xbf: {  	_ =	task.clear_ibuf [dreg:s5], $0x2FFFF;
	_ =	strace $0x9FFFFFFF  }
0xc0: {  	(tm) =	ssettm $0x7FFFFFFF  }
0xc1: {  	_ =	shalt  }
tec
execute0_lowered:
.L_overlay_start_1:
0x0: {  	(tag) =	ssettag $0x1  }
0x1: {  	s2 =	rddreg [dreg:$0x0]  }
0x2: {  	s5 =	rddreg [dreg:$0x1]  }
0x3: {  	s0 =	rddreg [dreg:$0x2];
	s4 =	simm.s32 $0x0;
	s1 =	stileid.u32  }
0x4: {  	[smem:$0x7FF] =	sst s4;
	s3 =	sshll.u32 s1, $0x7  }
0x5: {  	s6 =	simm.s32 $0x1;
	_ =	strace $0x80000047;
	s2 =	sadd.s32 s2, s3  }
0x6: {  	[tilespmem:s4], [sflag:$0x1] =	stream.linear.gather [hbm4b:s2+s4], $0x400, $0x38;
	[tilespmem:$0x800] =	vst v63  }
0x7: {  	s3 =	sshll.u32 s1, $0xA;
	s4 =	sand.u32 $0x3F0, s4;
	_ =	swait.ge [sflag:s6], $0x400  }
0x8: {  	v0 =	vlaneseq.u32;
	s7 =	sor.u32 s3, s4;
	[sflag:s6] =	ssyncset.done $0x0  }
0x9: {  	s2 =	sadd.s32 $0xC00, s5;
	s5 =	simm.s32 $0x10;
	v1 =	vor.u32 s7, v0;
	[sflag:s6] =	ssyncadd.s32 $0xFFFFFC00  }
.LBB2_1:
0xa: {  	p0 =	sne.s32 s5, $0x3F0;
	[tilespmem:s4+$0x400] =	vst v1;
	s4 =	smov.u32 s5;
	s5 =	sadd.s32 $0x10, s5  }
.Ltmp0:
0xb: {  	(pc) =	sbr.rel @p0 .LBB2_1-.Ltmp0, $4  }
0xc: {  	_ = 	snop  }
0xd: {  	s4 =	sand.u32 $0x3F0, s4  }
0xe: {  	s6 =	sor.u32 s3, s4  }
0xf: {  	v1 =	vor.u32 s6, v0  }
0x10: {  	s3 =	simm.s32 $0x80  }
0x11: {  	[tilespmem:s4+$0x400] =	vst v1;
	s17 =	simm.s32 $0x0;
	s5 =	simm.s32 $0x400;
	s18 =	simm.s32 $0x1  }
0x12: {  	[hbm4b:s2+s3] =	stream.indirect.scatter [tilespmem:s5], [sflag:$0x1], $0x1, s17, s3, $0xb8;
	[tilespmem:$0x800] =	vst v63  }
0x13: {  	_ =	swait.ge [sflag:s18], $0x80  }
0x14: {  	[sflag:s18] =	ssyncset.done $0x0  }
0x15: {  	s19 =	simm.s32 $0x480;
	[sflag:s18] =	ssyncadd.s32 $0xFFFFFF80  }
0x16: {  	[hbm4b:s2+s3] =	stream.indirect.scatter [tilespmem:s19], [sflag:$0x1], $0x1, s3, s3, $0xb8;
	[tilespmem:$0x800] =	vst v63  }
0x17: {  	_ =	swait.ge [sflag:s18], $0x80  }
0x18: {  	[sflag:s18] =	ssyncset.done $0x0  }
0x19: {  	s20 =	simm.s32 $0x100;
	s6 =	simm.s32 $0x500;
	[sflag:s18] =	ssyncadd.s32 $0xFFFFFF80  }
0x1a: {  	[hbm4b:s2+s3] =	stream.indirect.scatter [tilespmem:s6], [sflag:$0x1], $0x1, s20, s3, $0xb8;
	[tilespmem:$0x800] =	vst v63  }
0x1b: {  	_ =	swait.ge [sflag:s18], $0x80  }
0x1c: {  	[sflag:s18] =	ssyncset.done $0x0  }
0x1d: {  	s21 =	simm.s32 $0x180;
	s22 =	simm.s32 $0x580;
	[sflag:s18] =	ssyncadd.s32 $0xFFFFFF80  }
0x1e: {  	[hbm4b:s2+s3] =	stream.indirect.scatter [tilespmem:s22], [sflag:$0x1], $0x1, s21, s3, $0xb8;
	[tilespmem:$0x800] =	vst v63  }
0x1f: {  	_ =	swait.ge [sflag:s18], $0x80  }
0x20: {  	[sflag:s18] =	ssyncset.done $0x0  }
0x21: {  	s23 =	simm.s32 $0x200;
	s24 =	simm.s32 $0x600;
	[sflag:s18] =	ssyncadd.s32 $0xFFFFFF80  }
0x22: {  	[hbm4b:s2+s3] =	stream.indirect.scatter [tilespmem:s24], [sflag:$0x1], $0x1, s23, s3, $0xb8;
	[tilespmem:$0x800] =	vst v63  }
0x23: {  	_ =	swait.ge [sflag:s18], $0x80  }
0x24: {  	[sflag:s18] =	ssyncset.done $0x0  }
0x25: {  	s25 =	simm.s32 $0x280;
	s26 =	simm.s32 $0x680;
	[sflag:s18] =	ssyncadd.s32 $0xFFFFFF80  }
0x26: {  	[hbm4b:s2+s3] =	stream.indirect.scatter [tilespmem:s26], [sflag:$0x1], $0x1, s25, s3, $0xb8;
	[tilespmem:$0x800] =	vst v63  }
0x27: {  	_ =	swait.ge [sflag:s18], $0x80  }
0x28: {  	[sflag:s18] =	ssyncset.done $0x0  }
0x29: {  	s28 =	simm.s32 $0x300;
	s29 =	simm.s32 $0x700;
	[sflag:s18] =	ssyncadd.s32 $0xFFFFFF80  }
0x2a: {  	[hbm4b:s2+s3] =	stream.indirect.scatter [tilespmem:s29], [sflag:$0x1], $0x1, s28, s3, $0xb8;
	[tilespmem:$0x800] =	vst v63  }
0x2b: {  	_ =	swait.ge [sflag:s18], $0x80  }
0x2c: {  	[sflag:s18] =	ssyncset.done $0x0  }
0x2d: {  	s30 =	simm.s32 $0x380;
	s31 =	simm.s32 $0x780;
	[sflag:s18] =	ssyncadd.s32 $0xFFFFFF80  }
0x2e: {  	[hbm4b:s2+s3] =	stream.indirect.scatter [tilespmem:s31], [sflag:$0x1], $0x1, s30, s3, $0xb8;
	[tilespmem:$0x800] =	vst v63  }
0x2f: {  	_ =	swait.ge [sflag:s18], $0x80  }
0x30: {  	[sflag:s18] =	ssyncset.done $0x0  }
0x31: {  	[sflag:s18] =	ssyncadd.s32 $0xFFFFFF80  }
0x32: {  	_ =	sfence.sel $0x180000  }
0x33: {  	[bflag:$0x0] =	sbarrier.arrive $0xFFFF  }
0x34: {  	p0 =	sne.s32 s1, $0x0;
	_ =	strace $0x90000047  }
0x35: {  	s0 =	sadd.s32 @!p0 $0x100000, s0;
	[bflag:$0x2] =	sbarrier.arrive $0xFFFF  }
0x36: {  	[sflag:s0] =	ssyncadd.tile.s32 @!p0 $0x1;
	_ =	shalt  }
.Lfunc_end2:
_tile_overlayer_lowered:
.L_overlay_start_2:
0x37: {  	(tag) =	ssettag $0x2  }
0x38: {  	s0 =	rddreg [dreg:$0x0];
	s2 =	stileid.u32  }
0x39: {  	s1 =	rddreg [dreg:$0x1];
	p0 =	sne.s32 s2, $0x0  }
0x3a: {  	s3 =	rddreg [dreg:$0x2];
	[bflag:$0x3] =	sbarrier.arrive $0xFFFF;
	s2 =	simm.s32 @!p0 $0x1C01  }
0x3b: {  	[timem:s3], [sflag:s2] =	dma.local @!p0 [hbm:s0], s1  }
0x3c: {  	s0 =	simm.s32 @!p0 $0x1  }
0x3d: {  	_ =	swait.ge @!p0 [sflag:s0], s1  }
0x3e: {  	s1 =	ssub.s32 @!p0 $0x0, s1;
	[sflag:s0] =	ssyncset.done @!p0 $0x0  }
0x3f: {  	[sflag:s0] =	ssyncadd.s32 @!p0 s1  }
0x40: {  	[bflag:$0x3] =	sbarrier.arrive $0xFFFF  }
0x41: {  	_ =	shalt  }

// kernel: kernel.7.cloned.1.call-start
scs
__scs_entry_jumppad:
0x0: {  	(pc) =	sbr.rel $0x88, $3  }
0x1: {  	(tag) =	ssettag $0x0;
	lr =	simm.s32 $0x1  }
0x2: {  	[smem:$0x3F9F] =	sst lr;
	_ =	strace $0xD0000000  }
0x3: {  	_ = 	snop  }
0x4: {  	_ = 	snop  }
0x5: {  	_ = 	snop  }
0x6: {  	_ = 	snop  }
0x7: {  	_ = 	snop  }
__scs_overlays_trampoline_lowered:
0x8: {  	[smem:$0x3FAE] =	sst s0  }
0x9: {  	[smem:$0x3FAF] =	sst s1  }
0xa: {  	[smem:$0x3FB0] =	sst s2  }
0xb: {  	[smem:$0x3FB1] =	sst s3  }
0xc: {  	[smem:$0x3FB2] =	sst s4  }
0xd: {  	[smem:$0x3FB3] =	sst s5  }
0xe: {  	[smem:$0x3FB4] =	sst s6  }
0xf: {  	[smem:$0x3FB5] =	sst s7  }
0x10: {  	[smem:$0x3FB6] =	sst s8  }
0x11: {  	[smem:$0x3FB7] =	sst s9;
	s0 =	simm.s32 @!p0 $0x0  }
0x12: {  	s1 =	sld [smem:$0x3F9D];
	s0 =	simm.s32 @p0 $0x1  }
0x13: {  	[smem:$0x3FB8] =	sst s0;
	s0 =	simm.s32 @!p1 $0x0  }
0x14: {  	s2 =	sld [smem:$0x3F9C];
	s0 =	simm.s32 @p1 $0x1  }
0x15: {  	[smem:$0x3FB9] =	sst s0;
	s0 =	simm.s32 @!p2 $0x0  }
0x16: {  	s3 =	sld [smem:$0x3FDB];
	s0 =	simm.s32 @p2 $0x1  }
0x17: {  	s4 =	simm.s32 $0x1BF5;
	[smem:$0x3FBB] =	sst s0  }
0x18: {  	s0 =	sld [smem:$0x3F9E];
	_ =	swait.ge [sflag:s4], $0x0  }
0x19: {  	s7 =	sld [smem:$0x3F9F]  }
0x1a: {  	s8 =	sadd.s32 $0xFFFFE003, lr  }
0x1b: {  	s9 =	sadd.s32 $0xFFFFFEF7, lr;
	s5 =	simm.s32 $0xFFFFFFFF;
	p2 =	slt.u32 s8, $0xFFFFF086  }
0x1c: {  	p1 =	slt.u32 s9, $0xF7A;
	s5 =	simm.s32 @!p2 $0x0  }
0x1d: {  	s5 =	simm.s32 @p1 $0x1;
	p0 =	seq.s32 s7, s2  }
0x1e: {  	s7 =	smul.u32 @!p0 $0xF7A, s2;
	p2 =	seq.s32 @!p0 s5, $0x0  }
0x1f: {  	s9 =	smul.u32 $0xF7A, s1;
	s8 =	simm.s32 @!p0 $0x1BF5;
	p2 =	por !p2, p0  }
0x20: {  	[sflag:s8] =	ssyncset.s32 @!p0 $0xFFFFF086;
	s6 =	sadd.s32 @!p0 s3, s7;
	s7 =	simm.s32 @!p0 $0x108  }
0x21: {  	s3 =	sadd.s32 s3, s9;
	s6 =	sadd.s32 @!p0 $0x88, s6;
	s7 =	simm.s32 @p2 $0x1082  }
0x22: {  	[simem:s7], [sflag:s8] =	dma.local @!p0 [hbm:s6], $0xF7A  }
0x23: {  	s9 =	sor.u32 $0xD0000000, s2;
	s6 =	simm.s32 $0x108;
	_ =	swait.ge @!p0 [sflag:s8], $0x0  }
0x24: {  	s3 =	sadd.s32 $0x88, s3;
	s6 =	simm.s32 @!p1 $0x1082;
	[sflag:s4] =	ssyncset.s32 $0xFFFFF086  }
0x25: {  	[simem:s6], [sflag:s4] =	dma.local [hbm:s3], $0xF7A  }
0x26: {  	[smem:$0x3F9F] =	sst s1;
	(tag) =	ssettag s2;
	_ =	strace s9  }
0x27: {  	s1 =	sld [smem:$0x3FAF]  }
0x28: {  	s2 =	sld [smem:$0x3FB0]  }
0x29: {  	s4 =	sld [smem:$0x3FB2]  }
0x2a: {  	p0 =	seq.s32 s5, $0x0;
	s5 =	sld [smem:$0x3FB3]  }
0x2b: {  	s6 =	sld [smem:$0x3FB4]  }
0x2c: {  	s7 =	sld [smem:$0x3FB5]  }
0x2d: {  	s3 =	simm.s32 $0x108;
	s8 =	sld [smem:$0x3FB6]  }
0x2e: {  	s3 =	simm.s32 @!p0 $0x1082;
	s9 =	sld [smem:$0x3FB7]  }
0x2f: {  	lr =	sadd.s32 s0, s3;
	s0 =	sld [smem:$0x3FAE]  }
0x30: {  	s3 =	sld [smem:$0x3FB1]  }
0x31: {  	[smem:$0x3FBA] =	sst s10  }
0x32: {  	s10 =	sld [smem:$0x3FB8];
	_ =	sdelay $0x3  }
0x33: {  	p0 =	seq.s32 s10, $0x1;
	s10 =	sld [smem:$0x3FBA];
	_ =	sdelay $0x3  }
0x34: {  	[smem:$0x3FBA] =	sst s10  }
0x35: {  	s10 =	sld [smem:$0x3FB9];
	_ =	sdelay $0x3  }
0x36: {  	p1 =	seq.s32 s10, $0x1;
	s10 =	sld [smem:$0x3FBA];
	_ =	sdelay $0x3  }
0x37: {  	[smem:$0x3FBA] =	sst s10  }
0x38: {  	s10 =	sld [smem:$0x3FBB]  }
0x39: {  	_ = 	snop;
	(pc) =	sbr.ind lr, $3  }
0x3a: {  	_ = 	snop  }
0x3b: {  	_ = 	snop  }
0x3c: {  	p2 =	seq.s32 s10, $0x1;
	s10 =	sld [smem:$0x3FBA]  }
0x3d: {  	_ =	shalt  }
0x3e: {  	_ =	shalt  }
0x3f: {  	_ =	shalt  }
0x40: {  	_ =	shalt  }
0x41: {  	_ =	shalt  }
0x42: {  	_ =	shalt  }
0x43: {  	_ =	shalt  }
0x44: {  	_ =	shalt  }
0x45: {  	_ =	shalt  }
0x46: {  	_ =	shalt  }
0x47: {  	_ =	shalt  }
0x48: {  	_ =	shalt  }
0x49: {  	_ =	shalt  }
0x4a: {  	_ =	shalt  }
0x4b: {  	_ =	shalt  }
0x4c: {  	_ =	shalt  }
0x4d: {  	_ =	shalt  }
0x4e: {  	_ =	shalt  }
0x4f: {  	_ =	shalt  }
0x50: {  	_ =	shalt  }
0x51: {  	_ =	shalt  }
0x52: {  	_ =	shalt  }
0x53: {  	_ =	shalt  }
0x54: {  	_ =	shalt  }
0x55: {  	_ =	shalt  }
0x56: {  	_ =	shalt  }
0x57: {  	_ =	shalt  }
0x58: {  	_ =	shalt  }
0x59: {  	_ =	shalt  }
0x5a: {  	_ =	shalt  }
0x5b: {  	_ =	shalt  }
0x5c: {  	_ =	shalt  }
0x5d: {  	_ =	shalt  }
0x5e: {  	_ =	shalt  }
0x5f: {  	_ =	shalt  }
0x60: {  	_ =	shalt  }
0x61: {  	_ =	shalt  }
0x62: {  	_ =	shalt  }
0x63: {  	_ =	shalt  }
0x64: {  	_ =	shalt  }
0x65: {  	_ =	shalt  }
0x66: {  	_ =	shalt  }
0x67: {  	_ =	shalt  }
0x68: {  	_ =	shalt  }
0x69: {  	_ =	shalt  }
0x6a: {  	_ =	shalt  }
0x6b: {  	_ =	shalt  }
0x6c: {  	_ =	shalt  }
0x6d: {  	_ =	shalt  }
0x6e: {  	_ =	shalt  }
0x6f: {  	_ =	shalt  }
0x70: {  	_ =	shalt  }
0x71: {  	_ =	shalt  }
0x72: {  	_ =	shalt  }
0x73: {  	_ =	shalt  }
0x74: {  	_ =	shalt  }
0x75: {  	_ =	shalt  }
0x76: {  	_ =	shalt  }
0x77: {  	_ =	shalt  }
0x78: {  	_ =	shalt  }
0x79: {  	_ =	shalt  }
0x7a: {  	_ =	shalt  }
0x7b: {  	_ =	shalt  }
0x7c: {  	_ =	shalt  }
0x7d: {  	_ =	shalt  }
0x7e: {  	_ =	shalt  }
0x7f: {  	_ =	shalt  }
0x80: {  	_ =	shalt  }
0x81: {  	_ =	shalt  }
0x82: {  	_ =	shalt  }
0x83: {  	_ =	shalt  }
0x84: {  	_ =	shalt  }
0x85: {  	_ =	shalt  }
0x86: {  	_ =	shalt  }
0x87: {  	_ =	shalt  }
.Lfunc_end0:
.L_simem_size_0:
called_computation.2_lowered:
.L_overlay_start_0:
0x88: {  	s0 =	sld [smem:$0x3FD9]  }
0x89: {  	s1 =	sld [smem:$0x3FFE];
	_ =	sdelay $0x3  }
0x8a: {  	s0 =	sadd.s32 s1, s0  }
0x8b: {  	[smem:$0x3FC6] =	sst s0  }
0x8c: {  	_ = 	snop  }
0x8d: {  	s0 =	sld [smem:$0x3FC8]  }
0x8e: {  	s16 =	sld [smem:$0x3FD0];
	(tm) =	ssettm $0x1  }
0x8f: {  	s2 =	sld [smem:$0x3FFB];
	_ =	sdelay $0x3  }
0x90: {  	_ =	strace s2  }
0x91: {  	s2 =	sld [smem:$0x3FFC];
	_ =	sdelay $0x3  }
0x92: {  	_ =	strace s2  }
0x93: {  	s2 =	sld [smem:$0x3FFD];
	_ =	sdelay $0x3  }
0x94: {  	_ =	strace s2  }
0x95: {  	_ =	strace $0x8FFFFFFF  }
0x96: {  	s17 =	sld [smem:$0x3FDB];
	_ =	sdelay $0x1  }
0x97: {  	s3 =	simm.s32 $_scs_section_size  }
0x98: {  	s4 =	simm.s32 $_size__tile_overlayer_lowered;
	s5 =	simm.s32 $_tile_overlayer_lowered  }
0x99: {  	s20 =	simm.s32 $0x1BFF;
	s19 =	sshll.u32 s5, $0x1;
	s2 =	sadd.s32 s3, s17  }
0x9a: {  	s6 =	simm.s32 $0x0;
	s18 =	sshll.u32 s4, $0x1;
	s4 =	sadd.s32 s19, s2  }
0x9b: {  	[timem:s6], [sflag:s20] =	dma.local [hbm:s4], s18  }
0x9c: {  	_ =	swait.ge [sflag:s20], s18  }
0x9d: {  	s3 =	ssub.s32 $0x0, s18;
	[sflag:s20] =	ssyncset.done $0x0  }
0x9e: {  	[sflag:s20] =	ssyncadd.s32 s3;
	_ =	sdelay $0x1  }
0x9f: {  	s21 =	simm.s32 $0x1B8B  }
0xa0: {  	_ =	swait.ge [sflag:s21], $0x1  }
0xa1: {  	[sflag:s21] =	ssyncset.done $0x0  }
0xa2: {  	s23 =	simm.s32 $0x1B8E;
	s22 =	sld [smem:$0x3FFE];
	[sflag:s21] =	ssyncadd.s32 $0xFFFFFFFF  }
0xa3: {  	s24 =	simm.s32 $execute0_lowered;
	[smem:$0x3FD2] =	sst s23  }
0xa4: {  	s4 =	sshll.u32 s24, $0x1;
	_ =	strace $0x80000049;
	[dreg:$0x1] =	wrdreg $0xFFFFFFFF  }
0xa5: {  	s25 =	simm.s32 $_size_execute0_lowered;
	s2 =	sadd.s32 s2, s4;
	[dreg:$0x0] =	wrdreg $0x0  }
0xa6: {  	s4 =	sshll.u32 s25, $0x1;
	[dreg:$0x2] =	wrdreg s2  }
0xa7: {  	[dreg:$0x3] =	wrdreg s4  }
0xa8: {  	[dreg:$0x4] =	wrdreg $0xC0  }
0xa9: {  	_ =	task [dreg:s6], $0x5FFFF  }
0xaa: {  	[dreg:$0x1] =	wrdreg $0xFFFFFFFF  }
0xab: {  	[dreg:$0x0] =	wrdreg $0x60  }
0xac: {  	[dreg:$0x2] =	wrdreg s22  }
0xad: {  	[dreg:$0x3] =	wrdreg s0  }
0xae: {  	[dreg:$0x4] =	wrdreg s16  }
0xaf: {  	[dreg:$0x5] =	wrdreg $0x48000  }
0xb0: {  	[dreg:$0x6] =	wrdreg $0x9  }
0xb1: {  	_ =	task.clear_ibuf [dreg:s6], $0x7FFFF;
	_ =	strace $0x90000049  }
0xb2: {  	s26 =	simm.s32 $0x9;
	_ =	strace $0x8000004B  }
0xb3: {  	_ =	swait.ge [sflag:s26], $0x1  }
0xb4: {  	[sflag:s26] =	ssyncadd.s32 $0xFFFFFFFF  }
0xb5: {  	_ =	strace $0x9000004B  }
0xb6: {  	_ =	sfence  }
0xb7: {  	s28 =	sld [smem:$0x0];
	_ =	sdelay $0x1  }
0xb8: {  	s29 =	srdreg.scid  }
0xb9: {  	s30 =	sshll.u32 s29, $0xD;
	s31 =	sshrl.u32 s29, $0x2  }
0xba: {  	s1 =	sand.u32 $0x1, s29;
	s2 =	sand.u32 $0x4000, s30;
	s0 =	sadd.s32 s31, s28  }
0xbb: {  	s1 =	sor.u32 s2, s1;
	s0 =	sshll.u32 s0, $0x11  }
0xbc: {  	s0 =	sor.u32 s0, s1  }
0xbd: {  	s0 =	sadd.s32 $0x8F2B, s0  }
0xbe: {  	[sflag:s0] =	ssyncadd.remote.s32 $0x1  }
0xbf: {  	_ =	sfence.sel $0xFFFF  }
0xc0: {  	[dreg:$0x0] =	wrdreg $0xFFFFFFFF;
	(pc) =	sbr.abs _section_cstart, $3  }
0xc1: {  	[dreg:$0x1] =	wrdreg $0xFFFFFFFF  }
0xc2: {  	_ =	task.clear_ibuf [dreg:s6], $0x2FFFF;
	_ =	strace $0x9FFFFFFF  }
0xc3: {  	(tm) =	ssettm $0x7FFFFFFF  }
tec
execute0_lowered:
.L_overlay_start_1:
0x0: {  	(tag) =	ssettag $0x1  }
0x1: {  	s5 =	rddreg [dreg:$0x0]  }
0x2: {  	s6 =	rddreg [dreg:$0x1]  }
0x3: {  	s2 =	rddreg [dreg:$0x2]  }
0x4: {  	s3 =	rddreg [dreg:$0x3]  }
0x5: {  	s0 =	rddreg [dreg:$0x4];
	s4 =	simm.s32 $0x0;
	s1 =	stileid.u32  }
0x6: {  	[smem:$0x7FF] =	sst s4;
	s7 =	sshll.u32 s1, $0x7  }
0x7: {  	s15 =	simm.s32 $0x1;
	_ =	strace $0x8000004A;
	s6 =	sadd.s32 s6, s7  }
0x8: {  	[tilespmem:s4], [sflag:$0x1] =	stream.linear.gather [hbm4b:s6+s4], $0x400, $0x38;
	[tilespmem:$0x14800] =	vst v63  }
0x9: {  	_ =	swait.ge [sflag:s15], $0x400  }
0xa: {  	s8 =	simm.s32 $0x80;
	[sflag:s15] =	ssyncset.done $0x0  }
0xb: {  	s9 =	simm.s32 $0x400;
	s16 =	sadd.s32 $0xC00, s5;
	[sflag:s15] =	ssyncadd.s32 $0xFFFFFC00  }
0xc: {  	[tilespmem:s9], [sflag:$0x1] =	stream.indirect.gather [hbm4b:s16+s8], $0x1, s4, s8, $0xb8;
	[tilespmem:$0x14800] =	vst v63  }
0xd: {  	_ =	swait.ge [sflag:s15], $0x80  }
0xe: {  	[sflag:s15] =	ssyncset.done $0x0  }
0xf: {  	s17 =	simm.s32 $0x480;
	[sflag:s15] =	ssyncadd.s32 $0xFFFFFF80  }
0x10: {  	[tilespmem:s17], [sflag:$0x1] =	stream.indirect.gather [hbm4b:s16+s8], $0x1, s8, s8, $0xb8;
	[tilespmem:$0x14800] =	vst v63  }
0x11: {  	_ =	swait.ge [sflag:s15], $0x80  }
0x12: {  	[sflag:s15] =	ssyncset.done $0x0  }
0x13: {  	s18 =	simm.s32 $0x100;
	s10 =	simm.s32 $0x500;
	[sflag:s15] =	ssyncadd.s32 $0xFFFFFF80  }
0x14: {  	[tilespmem:s10], [sflag:$0x1] =	stream.indirect.gather [hbm4b:s16+s8], $0x1, s18, s8, $0xb8;
	[tilespmem:$0x14800] =	vst v63  }
0x15: {  	_ =	swait.ge [sflag:s15], $0x80  }
0x16: {  	[sflag:s15] =	ssyncset.done $0x0  }
0x17: {  	s19 =	simm.s32 $0x180;
	s20 =	simm.s32 $0x580;
	[sflag:s15] =	ssyncadd.s32 $0xFFFFFF80  }
0x18: {  	[tilespmem:s20], [sflag:$0x1] =	stream.indirect.gather [hbm4b:s16+s8], $0x1, s19, s8, $0xb8;
	[tilespmem:$0x14800] =	vst v63  }
0x19: {  	_ =	swait.ge [sflag:s15], $0x80  }
0x1a: {  	[sflag:s15] =	ssyncset.done $0x0  }
0x1b: {  	s21 =	simm.s32 $0x200;
	s22 =	simm.s32 $0x600;
	[sflag:s15] =	ssyncadd.s32 $0xFFFFFF80  }
0x1c: {  	[tilespmem:s22], [sflag:$0x1] =	stream.indirect.gather [hbm4b:s16+s8], $0x1, s21, s8, $0xb8;
	[tilespmem:$0x14800] =	vst v63  }
0x1d: {  	_ =	swait.ge [sflag:s15], $0x80  }
0x1e: {  	[sflag:s15] =	ssyncset.done $0x0  }
0x1f: {  	s23 =	simm.s32 $0x280;
	s24 =	simm.s32 $0x680;
	[sflag:s15] =	ssyncadd.s32 $0xFFFFFF80  }
0x20: {  	[tilespmem:s24], [sflag:$0x1] =	stream.indirect.gather [hbm4b:s16+s8], $0x1, s23, s8, $0xb8;
	[tilespmem:$0x14800] =	vst v63  }
0x21: {  	_ =	swait.ge [sflag:s15], $0x80  }
0x22: {  	[sflag:s15] =	ssyncset.done $0x0  }
0x23: {  	s25 =	simm.s32 $0x300;
	s26 =	simm.s32 $0x700;
	[sflag:s15] =	ssyncadd.s32 $0xFFFFFF80  }
0x24: {  	[tilespmem:s26], [sflag:$0x1] =	stream.indirect.gather [hbm4b:s16+s8], $0x1, s25, s8, $0xb8;
	[tilespmem:$0x14800] =	vst v63  }
0x25: {  	_ =	swait.ge [sflag:s15], $0x80  }
0x26: {  	[sflag:s15] =	ssyncset.done $0x0  }
0x27: {  	s28 =	simm.s32 $0x380;
	s29 =	simm.s32 $0x780;
	[sflag:s15] =	ssyncadd.s32 $0xFFFFFF80  }
0x28: {  	[tilespmem:s29], [sflag:$0x1] =	stream.indirect.gather [hbm4b:s16+s8], $0x1, s28, s8, $0xb8;
	[tilespmem:$0x14800] =	vst v63  }
0x29: {  	s5 =	sadd.s32 $0x1F600, s5;
	s30 =	sand.u32 $0x7F00, s4;
	_ =	swait.ge [sflag:s15], $0x80  }
0x2a: {  	s31 =	sand.u32 $0x30, s4;
	s7 =	sshrl.u32 s30, $0x2;
	[sflag:s15] =	ssyncset.done $0x0  }
0x2b: {  	v0 =	vimm.f32 $0.0e+00;
	s6 =	simm.s32 $0x40;
	s7 =	sor.u32 s31, s7;
	[sflag:s15] =	ssyncadd.s32 $0xFFFFFF80  }
.LBB2_1:
0x2c: {  	p0 =	sne.s32 s6, $0x7FC0  }
0x2d: {  	[tilespmem:s7+$0x2800] =	vst v0;
	s4 =	sadd.s32 $0x10, s4;
	s7 =	smov.u32 s6;
	s6 =	sadd.s32 $0x40, s6  }
.Ltmp0:
0x2e: {  	(pc) =	sbr.rel @p0 .LBB2_1-.Ltmp0, $4  }
0x2f: {  	_ = 	snop  }
0x30: {  	s7 =	sand.u32 $0x7F00, s7  }
0x31: {  	s8 =	sand.u32 $0x30, s4;
	s7 =	sshrl.u32 s7, $0x2  }
0x32: {  	s7 =	sor.u32 s8, s7  }
0x33: {  	s6 =	sshll.u32 s1, $0x10  }
0x34: {  	[tilespmem:s7+$0x2800] =	vst v0;
	s22 =	simm.s32 $0x2800;
	s4 =	sadd.s32 s6, s3  }
0x35: {  	[spmem:s4] =	stream.linear.scatter [tilespmem:s22], [sflag:$0x1], $0x2000, $0x38;
	[tilespmem:$0x14800] =	vst v63  }
0x36: {  	s4 =	simm.s32 $0x1  }
0x37: {  	_ =	swait.ge [sflag:s4], $0x2000  }
0x38: {  	s12 =	sor.u32 $0x2000, s6;
	[sflag:s4] =	ssyncset.done $0x0  }
0x39: {  	s8 =	sadd.s32 s12, s3;
	[sflag:s4] =	ssyncadd.s32 $0xFFFFE000  }
0x3a: {  	[spmem:s8] =	stream.linear.scatter [tilespmem:s22], [sflag:$0x1], $0x2000, $0x38;
	[tilespmem:$0x14800] =	vst v63  }
0x3b: {  	_ =	swait.ge [sflag:s4], $0x2000  }
0x3c: {  	s14 =	sor.u32 $0x4000, s6;
	[sflag:s4] =	ssyncset.done $0x0  }
0x3d: {  	s23 =	sadd.s32 s14, s3;
	[sflag:s4] =	ssyncadd.s32 $0xFFFFE000  }
0x3e: {  	[spmem:s23] =	stream.linear.scatter [tilespmem:s22], [sflag:$0x1], $0x2000, $0x38;
	[tilespmem:$0x14800] =	vst v63  }
0x3f: {  	_ =	swait.ge [sflag:s4], $0x2000  }
0x40: {  	s15 =	sor.u32 $0x6000, s6;
	[sflag:s4] =	ssyncset.done $0x0  }
0x41: {  	s24 =	sadd.s32 s15, s3;
	[sflag:s4] =	ssyncadd.s32 $0xFFFFE000  }
0x42: {  	[spmem:s24] =	stream.linear.scatter [tilespmem:s22], [sflag:$0x1], $0x2000, $0x38;
	[tilespmem:$0x14800] =	vst v63  }
0x43: {  	_ =	swait.ge [sflag:s4], $0x2000  }
0x44: {  	s16 =	sor.u32 $0x8000, s6;
	[sflag:s4] =	ssyncset.done $0x0  }
0x45: {  	s25 =	sadd.s32 s16, s3;
	[sflag:s4] =	ssyncadd.s32 $0xFFFFE000  }
0x46: {  	[spmem:s25] =	stream.linear.scatter [tilespmem:s22], [sflag:$0x1], $0x2000, $0x38;
	[tilespmem:$0x14800] =	vst v63  }
0x47: {  	_ =	swait.ge [sflag:s4], $0x2000  }
0x48: {  	s13 =	sor.u32 $0xA000, s6;
	[sflag:s4] =	ssyncset.done $0x0  }
0x49: {  	s26 =	sadd.s32 s13, s3;
	[sflag:s4] =	ssyncadd.s32 $0xFFFFE000  }
0x4a: {  	[spmem:s26] =	stream.linear.scatter [tilespmem:s22], [sflag:$0x1], $0x2000, $0x38;
	[tilespmem:$0x14800] =	vst v63  }
0x4b: {  	_ =	swait.ge [sflag:s4], $0x2000  }
0x4c: {  	s11 =	sor.u32 $0xC000, s6;
	[sflag:s4] =	ssyncset.done $0x0  }
0x4d: {  	s28 =	sadd.s32 s11, s3;
	[sflag:s4] =	ssyncadd.s32 $0xFFFFE000  }
0x4e: {  	[spmem:s28] =	stream.linear.scatter [tilespmem:s22], [sflag:$0x1], $0x2000, $0x38;
	[tilespmem:$0x14800] =	vst v63  }
0x4f: {  	_ =	swait.ge [sflag:s4], $0x2000  }
0x50: {  	s9 =	sor.u32 $0xE000, s6;
	[sflag:s4] =	ssyncset.done $0x0  }
0x51: {  	s6 =	sadd.s32 s9, s3;
	[sflag:s4] =	ssyncadd.s32 $0xFFFFE000  }
0x52: {  	[spmem:s6] =	stream.linear.scatter [tilespmem:s22], [sflag:$0x1], $0x2000, $0x38;
	[tilespmem:$0x14800] =	vst v63  }
0x53: {  	_ =	swait.ge [sflag:s4], $0x2000  }
0x54: {  	[sflag:s4] =	ssyncset.done $0x0  }
0x55: {  	s29 =	sshll.u32 s1, $0xD;
	s31 =	simm.s32 $0x0;
	[sflag:s4] =	ssyncadd.s32 $0xFFFFE000  }
0x56: {  	s30 =	sadd.s32 s5, s29;
	s6 =	simm.s32 $0x800;
	[bflag:$0x0] =	sbarrier.arrive $0xFFFF  }
0x57: {  	[tilespmem:s6], [sflag:$0x1] =	stream.linear.gather [hbm4b:s30+s31], $0x2000, $0x38;
	[tilespmem:$0x14800] =	vst v63  }
0x58: {  	_ =	swait.ge [sflag:s4], $0x2000  }
0x59: {  	[sflag:s4] =	ssyncset.done $0x0  }
0x5a: {  	s7 =	simm.s32 $0x80;
	s10 =	simm.s32 $0x400;
	[sflag:s4] =	ssyncadd.s32 $0xFFFFE000  }
0x5b: {  	[spmem:s3] =	stream.indirect.scatter.add.f32 [tilespmem:s6], [sflag:$0x1], $0x40, s10, s7, $0xb8;
	[tilespmem:$0x14800] =	vst v63  }
0x5c: {  	_ =	swait.ge [sflag:s4], $0x2000  }
0x5d: {  	s12 =	sshrl.u32 s12, $0x3;
	[sflag:s4] =	ssyncset.done $0x0  }
0x5e: {  	s12 =	sadd.s32 s5, s12;
	[sflag:s4] =	ssyncadd.s32 $0xFFFFE000  }
0x5f: {  	[tilespmem:s6], [sflag:$0x1] =	stream.linear.gather [hbm4b:s12+s31], $0x2000, $0x38;
	[tilespmem:$0x14800] =	vst v63  }
0x60: {  	_ =	swait.ge [sflag:s4], $0x2000  }
0x61: {  	[sflag:s4] =	ssyncset.done $0x0  }
0x62: {  	s17 =	simm.s32 $0x480;
	[sflag:s4] =	ssyncadd.s32 $0xFFFFE000  }
0x63: {  	[spmem:s3] =	stream.indirect.scatter.add.f32 [tilespmem:s6], [sflag:$0x1], $0x40, s17, s7, $0xb8;
	[tilespmem:$0x14800] =	vst v63  }
0x64: {  	_ =	swait.ge [sflag:s4], $0x2000  }
0x65: {  	s14 =	sshrl.u32 s14, $0x3;
	[sflag:s4] =	ssyncset.done $0x0  }
0x66: {  	s14 =	sadd.s32 s5, s14;
	[sflag:s4] =	ssyncadd.s32 $0xFFFFE000  }
0x67: {  	[tilespmem:s6], [sflag:$0x1] =	stream.linear.gather [hbm4b:s14+s31], $0x2000, $0x38;
	[tilespmem:$0x14800] =	vst v63  }
0x68: {  	_ =	swait.ge [sflag:s4], $0x2000  }
0x69: {  	[sflag:s4] =	ssyncset.done $0x0  }
0x6a: {  	s18 =	simm.s32 $0x500;
	[sflag:s4] =	ssyncadd.s32 $0xFFFFE000  }
0x6b: {  	[spmem:s3] =	stream.indirect.scatter.add.f32 [tilespmem:s6], [sflag:$0x1], $0x40, s18, s7, $0xb8;
	[tilespmem:$0x14800] =	vst v63  }
0x6c: {  	_ =	swait.ge [sflag:s4], $0x2000  }
0x6d: {  	s15 =	sshrl.u32 s15, $0x3;
	[sflag:s4] =	ssyncset.done $0x0  }
0x6e: {  	s15 =	sadd.s32 s5, s15;
	[sflag:s4] =	ssyncadd.s32 $0xFFFFE000  }
0x6f: {  	[tilespmem:s6], [sflag:$0x1] =	stream.linear.gather [hbm4b:s15+s31], $0x2000, $0x38;
	[tilespmem:$0x14800] =	vst v63  }
0x70: {  	_ =	swait.ge [sflag:s4], $0x2000  }
0x71: {  	[sflag:s4] =	ssyncset.done $0x0  }
0x72: {  	s19 =	simm.s32 $0x580;
	[sflag:s4] =	ssyncadd.s32 $0xFFFFE000  }
0x73: {  	[spmem:s3] =	stream.indirect.scatter.add.f32 [tilespmem:s6], [sflag:$0x1], $0x40, s19, s7, $0xb8;
	[tilespmem:$0x14800] =	vst v63  }
0x74: {  	_ =	swait.ge [sflag:s4], $0x2000  }
0x75: {  	s16 =	sshrl.u32 s16, $0x3;
	[sflag:s4] =	ssyncset.done $0x0  }
0x76: {  	s16 =	sadd.s32 s5, s16;
	[sflag:s4] =	ssyncadd.s32 $0xFFFFE000  }
0x77: {  	[tilespmem:s6], [sflag:$0x1] =	stream.linear.gather [hbm4b:s16+s31], $0x2000, $0x38;
	[tilespmem:$0x14800] =	vst v63  }
0x78: {  	_ =	swait.ge [sflag:s4], $0x2000  }
0x79: {  	[sflag:s4] =	ssyncset.done $0x0  }
0x7a: {  	s20 =	simm.s32 $0x600;
	[sflag:s4] =	ssyncadd.s32 $0xFFFFE000  }
0x7b: {  	[spmem:s3] =	stream.indirect.scatter.add.f32 [tilespmem:s6], [sflag:$0x1], $0x40, s20, s7, $0xb8;
	[tilespmem:$0x14800] =	vst v63  }
0x7c: {  	_ =	swait.ge [sflag:s4], $0x2000  }
0x7d: {  	s13 =	sshrl.u32 s13, $0x3;
	[sflag:s4] =	ssyncset.done $0x0  }
0x7e: {  	s13 =	sadd.s32 s5, s13;
	[sflag:s4] =	ssyncadd.s32 $0xFFFFE000  }
0x7f: {  	[tilespmem:s6], [sflag:$0x1] =	stream.linear.gather [hbm4b:s13+s31], $0x2000, $0x38;
	[tilespmem:$0x14800] =	vst v63  }
0x80: {  	_ =	swait.ge [sflag:s4], $0x2000  }
0x81: {  	[sflag:s4] =	ssyncset.done $0x0  }
0x82: {  	s21 =	simm.s32 $0x680;
	[sflag:s4] =	ssyncadd.s32 $0xFFFFE000  }
0x83: {  	[spmem:s3] =	stream.indirect.scatter.add.f32 [tilespmem:s6], [sflag:$0x1], $0x40, s21, s7, $0xb8;
	[tilespmem:$0x14800] =	vst v63  }
0x84: {  	_ =	swait.ge [sflag:s4], $0x2000  }
0x85: {  	s11 =	sshrl.u32 s11, $0x3;
	[sflag:s4] =	ssyncset.done $0x0  }
0x86: {  	s11 =	sadd.s32 s5, s11;
	[sflag:s4] =	ssyncadd.s32 $0xFFFFE000  }
0x87: {  	[tilespmem:s6], [sflag:$0x1] =	stream.linear.gather [hbm4b:s11+s31], $0x2000, $0x38;
	[tilespmem:$0x14800] =	vst v63  }
0x88: {  	_ =	swait.ge [sflag:s4], $0x2000  }
0x89: {  	[sflag:s4] =	ssyncset.done $0x0  }
0x8a: {  	s22 =	simm.s32 $0x700;
	[sflag:s4] =	ssyncadd.s32 $0xFFFFE000  }
0x8b: {  	[spmem:s3] =	stream.indirect.scatter.add.f32 [tilespmem:s6], [sflag:$0x1], $0x40, s22, s7, $0xb8;
	[tilespmem:$0x14800] =	vst v63  }
0x8c: {  	_ =	swait.ge [sflag:s4], $0x2000  }
0x8d: {  	s9 =	sshrl.u32 s9, $0x3;
	[sflag:s4] =	ssyncset.done $0x0  }
0x8e: {  	s23 =	sadd.s32 s5, s9;
	[sflag:s4] =	ssyncadd.s32 $0xFFFFE000  }
0x8f: {  	[tilespmem:s6], [sflag:$0x1] =	stream.linear.gather [hbm4b:s23+s31], $0x2000, $0x38;
	[tilespmem:$0x14800] =	vst v63  }
0x90: {  	_ =	swait.ge [sflag:s4], $0x2000  }
0x91: {  	[sflag:s4] =	ssyncset.done $0x0  }
0x92: {  	s24 =	simm.s32 $0x780;
	[sflag:s4] =	ssyncadd.s32 $0xFFFFE000  }
0x93: {  	[spmem:s3] =	stream.indirect.scatter.add.f32 [tilespmem:s6], [sflag:$0x1], $0x40, s24, s7, $0xb8;
	[tilespmem:$0x14800] =	vst v63  }
0x94: {  	_ =	swait.ge [sflag:s4], $0x2000  }
0x95: {  	[sflag:s4] =	ssyncset.done $0x0  }
0x96: {  	[sflag:s4] =	ssyncadd.s32 $0xFFFFE000  }
0x97: {  	[bflag:$0x0] =	sbarrier.arrive $0xFFFF  }
0x98: {  	[tilespmem:s6], [sflag:$0x1] =	stream.indirect.gather [spmem:s3], $0x40, s10, s7, $0xb8;
	[tilespmem:$0x14800] =	vst v63  }
0x99: {  	_ =	swait.ge [sflag:s4], $0x2000  }
0x9a: {  	[sflag:s4] =	ssyncset.done $0x0  }
0x9b: {  	[sflag:s4] =	ssyncadd.s32 $0xFFFFE000  }
0x9c: {  	[hbm4b:s2+s7] =	stream.indirect.scatter [tilespmem:s6], [sflag:$0x1], $0x40, s31, s7, $0xb8;
	[tilespmem:$0x14800] =	vst v63  }
0x9d: {  	_ =	swait.ge [sflag:s4], $0x2000  }
0x9e: {  	[sflag:s4] =	ssyncset.done $0x0  }
0x9f: {  	[sflag:s4] =	ssyncadd.s32 $0xFFFFE000  }
0xa0: {  	[tilespmem:s6], [sflag:$0x1] =	stream.indirect.gather [spmem:s3], $0x40, s17, s7, $0xb8;
	[tilespmem:$0x14800] =	vst v63  }
0xa1: {  	_ =	swait.ge [sflag:s4], $0x2000  }
0xa2: {  	[sflag:s4] =	ssyncset.done $0x0  }
0xa3: {  	[sflag:s4] =	ssyncadd.s32 $0xFFFFE000  }
0xa4: {  	[hbm4b:s2+s7] =	stream.indirect.scatter [tilespmem:s6], [sflag:$0x1], $0x40, s7, s7, $0xb8;
	[tilespmem:$0x14800] =	vst v63  }
0xa5: {  	_ =	swait.ge [sflag:s4], $0x2000  }
0xa6: {  	[sflag:s4] =	ssyncset.done $0x0  }
0xa7: {  	[sflag:s4] =	ssyncadd.s32 $0xFFFFE000  }
0xa8: {  	[tilespmem:s6], [sflag:$0x1] =	stream.indirect.gather [spmem:s3], $0x40, s18, s7, $0xb8;
	[tilespmem:$0x14800] =	vst v63  }
0xa9: {  	_ =	swait.ge [sflag:s4], $0x2000  }
0xaa: {  	[sflag:s4] =	ssyncset.done $0x0  }
0xab: {  	s25 =	simm.s32 $0x100;
	[sflag:s4] =	ssyncadd.s32 $0xFFFFE000  }
0xac: {  	[hbm4b:s2+s7] =	stream.indirect.scatter [tilespmem:s6], [sflag:$0x1], $0x40, s25, s7, $0xb8;
	[tilespmem:$0x14800] =	vst v63  }
0xad: {  	_ =	swait.ge [sflag:s4], $0x2000  }
0xae: {  	[sflag:s4] =	ssyncset.done $0x0  }
0xaf: {  	[sflag:s4] =	ssyncadd.s32 $0xFFFFE000  }
0xb0: {  	[tilespmem:s6], [sflag:$0x1] =	stream.indirect.gather [spmem:s3], $0x40, s19, s7, $0xb8;
	[tilespmem:$0x14800] =	vst v63  }
0xb1: {  	_ =	swait.ge [sflag:s4], $0x2000  }
0xb2: {  	[sflag:s4] =	ssyncset.done $0x0  }
0xb3: {  	s26 =	simm.s32 $0x180;
	[sflag:s4] =	ssyncadd.s32 $0xFFFFE000  }
0xb4: {  	[hbm4b:s2+s7] =	stream.indirect.scatter [tilespmem:s6], [sflag:$0x1], $0x40, s26, s7, $0xb8;
	[tilespmem:$0x14800] =	vst v63  }
0xb5: {  	_ =	swait.ge [sflag:s4], $0x2000  }
0xb6: {  	[sflag:s4] =	ssyncset.done $0x0  }
0xb7: {  	[sflag:s4] =	ssyncadd.s32 $0xFFFFE000  }
0xb8: {  	[tilespmem:s6], [sflag:$0x1] =	stream.indirect.gather [spmem:s3], $0x40, s20, s7, $0xb8;
	[tilespmem:$0x14800] =	vst v63  }
0xb9: {  	_ =	swait.ge [sflag:s4], $0x2000  }
0xba: {  	[sflag:s4] =	ssyncset.done $0x0  }
0xbb: {  	s28 =	simm.s32 $0x200;
	[sflag:s4] =	ssyncadd.s32 $0xFFFFE000  }
0xbc: {  	[hbm4b:s2+s7] =	stream.indirect.scatter [tilespmem:s6], [sflag:$0x1], $0x40, s28, s7, $0xb8;
	[tilespmem:$0x14800] =	vst v63  }
0xbd: {  	_ =	swait.ge [sflag:s4], $0x2000  }
0xbe: {  	[sflag:s4] =	ssyncset.done $0x0  }
0xbf: {  	[sflag:s4] =	ssyncadd.s32 $0xFFFFE000  }
0xc0: {  	[tilespmem:s6], [sflag:$0x1] =	stream.indirect.gather [spmem:s3], $0x40, s21, s7, $0xb8;
	[tilespmem:$0x14800] =	vst v63  }
0xc1: {  	_ =	swait.ge [sflag:s4], $0x2000  }
0xc2: {  	[sflag:s4] =	ssyncset.done $0x0  }
0xc3: {  	s29 =	simm.s32 $0x280;
	[sflag:s4] =	ssyncadd.s32 $0xFFFFE000  }
0xc4: {  	[hbm4b:s2+s7] =	stream.indirect.scatter [tilespmem:s6], [sflag:$0x1], $0x40, s29, s7, $0xb8;
	[tilespmem:$0x14800] =	vst v63  }
0xc5: {  	_ =	swait.ge [sflag:s4], $0x2000  }
0xc6: {  	[sflag:s4] =	ssyncset.done $0x0  }
0xc7: {  	[sflag:s4] =	ssyncadd.s32 $0xFFFFE000  }
0xc8: {  	[tilespmem:s6], [sflag:$0x1] =	stream.indirect.gather [spmem:s3], $0x40, s22, s7, $0xb8;
	[tilespmem:$0x14800] =	vst v63  }
0xc9: {  	_ =	swait.ge [sflag:s4], $0x2000  }
0xca: {  	[sflag:s4] =	ssyncset.done $0x0  }
0xcb: {  	s30 =	simm.s32 $0x300;
	[sflag:s4] =	ssyncadd.s32 $0xFFFFE000  }
0xcc: {  	[hbm4b:s2+s7] =	stream.indirect.scatter [tilespmem:s6], [sflag:$0x1], $0x40, s30, s7, $0xb8;
	[tilespmem:$0x14800] =	vst v63  }
0xcd: {  	_ =	swait.ge [sflag:s4], $0x2000  }
0xce: {  	[sflag:s4] =	ssyncset.done $0x0  }
0xcf: {  	[sflag:s4] =	ssyncadd.s32 $0xFFFFE000  }
0xd0: {  	[tilespmem:s6], [sflag:$0x1] =	stream.indirect.gather [spmem:s3], $0x40, s24, s7, $0xb8;
	[tilespmem:$0x14800] =	vst v63  }
0xd1: {  	_ =	swait.ge [sflag:s4], $0x2000  }
0xd2: {  	[sflag:s4] =	ssyncset.done $0x0  }
0xd3: {  	s31 =	simm.s32 $0x380;
	[sflag:s4] =	ssyncadd.s32 $0xFFFFE000  }
0xd4: {  	[hbm4b:s2+s7] =	stream.indirect.scatter [tilespmem:s6], [sflag:$0x1], $0x40, s31, s7, $0xb8;
	[tilespmem:$0x14800] =	vst v63  }
0xd5: {  	_ =	swait.ge [sflag:s4], $0x2000  }
0xd6: {  	[sflag:s4] =	ssyncset.done $0x0  }
0xd7: {  	[sflag:s4] =	ssyncadd.s32 $0xFFFFE000  }
0xd8: {  	_ =	sfence.sel $0x180000  }
0xd9: {  	[bflag:$0x0] =	sbarrier.arrive $0xFFFF  }
0xda: {  	p0 =	sne.s32 s1, $0x0;
	_ =	strace $0x9000004A  }
0xdb: {  	s0 =	sadd.s32 @!p0 $0x100000, s0;
	[bflag:$0x2] =	sbarrier.arrive $0xFFFF  }
0xdc: {  	[sflag:s0] =	ssyncadd.tile.s32 @!p0 $0x1;
	_ =	shalt  }
.Lfunc_end2:
_tile_overlayer_lowered:
.L_overlay_start_2:
0xdd: {  	(tag) =	ssettag $0x2  }
0xde: {  	s0 =	rddreg [dreg:$0x0];
	s2 =	stileid.u32  }
0xdf: {  	s1 =	rddreg [dreg:$0x1];
	p0 =	sne.s32 s2, $0x0  }
0xe0: {  	s3 =	rddreg [dreg:$0x2];
	[bflag:$0x3] =	sbarrier.arrive $0xFFFF;
	s2 =	simm.s32 @!p0 $0x1C01  }
0xe1: {  	[timem:s3], [sflag:s2] =	dma.local @!p0 [hbm:s0], s1  }
0xe2: {  	s0 =	simm.s32 @!p0 $0x1  }
0xe3: {  	_ =	swait.ge @!p0 [sflag:s0], s1  }
0xe4: {  	s1 =	ssub.s32 @!p0 $0x0, s1;
	[sflag:s0] =	ssyncset.done @!p0 $0x0  }
0xe5: {  	[sflag:s0] =	ssyncadd.s32 @!p0 s1  }
0xe6: {  	[bflag:$0x3] =	sbarrier.arrive $0xFFFF  }
0xe7: {  	_ =	shalt  }

// kernel: sparse-core-data-format-call.cloned.1.call-start
scs
called_computation_lowered:
.L_overlay_start_0:
0x0: {  	s2 =	sld [smem:$0x3FD9]  }
0x1: {  	s3 =	sld [smem:$0x3FFE];
	_ =	sdelay $0x1  }
0x2: {  	s1 =	srdreg.scid  }
0x3: {  	s0 =	sand.u32 $0x1, s1  }
0x4: {  	s18 =	sshll.u32 s0, $0xA;
	s2 =	sadd.s32 s3, s2  }
0x5: {  	s2 =	sadd.s32 s2, s18  }
0x6: {  	[smem:$0x3FC6] =	sst s2  }
0x7: {  	_ = 	snop  }
0x8: {  	s2 =	sld [smem:$0x3FD0];
	(tm) =	ssettm $0x1  }
0x9: {  	s19 =	sld [smem:$0x3FFB];
	_ =	sdelay $0x3  }
0xa: {  	_ =	strace s19  }
0xb: {  	s3 =	sld [smem:$0x3FFC];
	_ =	sdelay $0x3  }
0xc: {  	_ =	strace s3  }
0xd: {  	s3 =	sld [smem:$0x3FFD];
	_ =	sdelay $0x3  }
0xe: {  	_ =	strace s3  }
0xf: {  	_ =	strace $0x8FFFFFFF  }
0x10: {  	s20 =	sld [smem:$0x3FDB];
	_ =	sdelay $0x1  }
0x11: {  	s4 =	simm.s32 $_scs_section_size  }
0x12: {  	s5 =	simm.s32 $_size__tile_overlayer_lowered;
	s6 =	simm.s32 $_tile_overlayer_lowered  }
0x13: {  	s23 =	simm.s32 $0x1BFF;
	s22 =	sshll.u32 s6, $0x1;
	s3 =	sadd.s32 s4, s20  }
0x14: {  	s7 =	simm.s32 $0x0;
	s21 =	sshll.u32 s5, $0x1;
	s5 =	sadd.s32 s22, s3  }
0x15: {  	[timem:s7], [sflag:s23] =	dma.local [hbm:s5], s21  }
0x16: {  	_ =	swait.ge [sflag:s23], s21  }
0x17: {  	s4 =	ssub.s32 $0x0, s21;
	[sflag:s23] =	ssyncset.done $0x0  }
0x18: {  	[sflag:s23] =	ssyncadd.s32 s4;
	_ =	sdelay $0x1  }
0x19: {  	s24 =	simm.s32 $0x1B8B  }
0x1a: {  	_ =	swait.ge [sflag:s24], $0x1  }
0x1b: {  	[sflag:s24] =	ssyncset.done $0x0  }
0x1c: {  	s26 =	simm.s32 $0x1B8E;
	s25 =	sld [smem:$0x3FFE];
	[sflag:s24] =	ssyncadd.s32 $0xFFFFFFFF  }
0x1d: {  	s27 =	simm.s32 $execute0_lowered;
	[smem:$0x3FD2] =	sst s26  }
0x1e: {  	s5 =	sshll.u32 s27, $0x1;
	_ =	strace $0x8000004C;
	[dreg:$0x1] =	wrdreg $0xFFFFFFFF  }
0x1f: {  	s28 =	simm.s32 $_size_execute0_lowered;
	s3 =	sadd.s32 s3, s5;
	[dreg:$0x0] =	wrdreg $0x0  }
0x20: {  	s5 =	sshll.u32 s28, $0x1;
	[dreg:$0x2] =	wrdreg s3  }
0x21: {  	[dreg:$0x3] =	wrdreg s5  }
0x22: {  	[dreg:$0x4] =	wrdreg $0xC0  }
0x23: {  	_ =	task [dreg:s7], $0x5FFFF  }
0x24: {  	[dreg:$0x1] =	wrdreg $0xFFFFFFFF  }
0x25: {  	[dreg:$0x0] =	wrdreg $0x60  }
0x26: {  	[dreg:$0x2] =	wrdreg s25  }
0x27: {  	[dreg:$0x3] =	wrdreg s2  }
0x28: {  	[dreg:$0x4] =	wrdreg $0x9  }
0x29: {  	_ =	task.clear_ibuf [dreg:s7], $0x5FFFF;
	_ =	strace $0x9000004C  }
0x2a: {  	s29 =	simm.s32 $0x9;
	_ =	strace $0x8000004E  }
0x2b: {  	_ =	swait.ge [sflag:s29], $0x1  }
0x2c: {  	[sflag:s29] =	ssyncadd.s32 $0xFFFFFFFF  }
0x2d: {  	_ =	strace $0x9000004E  }
0x2e: {  	_ =	sfence  }
0x2f: {  	s30 =	sld [smem:$0x0];
	_ =	sdelay $0x2  }
0x30: {  	s31 =	sshll.u32 s1, $0xD;
	s1 =	sshrl.u32 s1, $0x2  }
0x31: {  	s3 =	sand.u32 $0x4000, s31;
	s1 =	sadd.s32 s1, s30  }
0x32: {  	s0 =	sor.u32 s3, s0;
	s1 =	sshll.u32 s1, $0x11  }
0x33: {  	s0 =	sor.u32 s1, s0  }
0x34: {  	s0 =	sadd.s32 $0x8F2B, s0  }
0x35: {  	[sflag:s0] =	ssyncadd.remote.s32 $0x1  }
0x36: {  	_ =	sfence.sel $0xFFFF  }
0x37: {  	[dreg:$0x0] =	wrdreg $0xFFFFFFFF;
	(pc) =	sbr.abs _section_cstart, $3  }
0x38: {  	[dreg:$0x1] =	wrdreg $0xFFFFFFFF  }
0x39: {  	_ =	task.clear_ibuf [dreg:s7], $0x2FFFF;
	_ =	strace $0x9FFFFFFF  }
0x3a: {  	(tm) =	ssettm $0x7FFFFFFF  }
0x3b: {  	_ =	shalt  }
tec
execute0_lowered:
.L_overlay_start_1:
0x0: {  	(tag) =	ssettag $0x1  }
0x1: {  	s4 =	rddreg [dreg:$0x0]  }
0x2: {  	s0 =	srdreg.scid;
	s2 =	rddreg [dreg:$0x1]  }
0x3: {  	s1 =	stileid.u32;
	s5 =	simm.s32 $0x1;
	s0 =	sshll.u32 s0, $0x4  }
0x4: {  	s7 =	simm.s32 $0x2;
	s11 =	simm.s32 $0x0;
	s3 =	sand.u32 $0x10, s0  }
.Ltmp0:
0x5: {  	p0 =	por $0x0, $0x0;
	s3 =	sor.u32 s1, s3;
	(pc) =	sbr.rel .LBB1_1-.Ltmp0, $4  }
0x6: {  	s8 =	simm.s32 $0x7A1400;
	s10 =	simm.s32 $0x0;
	s3 =	sshll.u32 s3, $0x7  }
0x7: {  	s0 =	rddreg [dreg:$0x2];
	_ =	strace $0x8000004D;
	s6 =	ssub.s32 $0xF4200, s3  }
0x8: {  	s4 =	sadd.s32 $0xC00, s4;
	[sflag:s5] =	ssyncpa.u1 $0x0;
	s6 =	sshrl.u32 s6, $0xC  }
0x9: {  	[sflag:s7] =	ssyncpa.u1 $0x0;
	s9 =	smov.u32 s3;
	s7 =	sadd.s32 $0x2, s6  }
.LBB1_5:
0xa: {  	s13 =	sadd.s32 $0x1000, s9  }
0xb: {  	p2 =	sgt.s32 s13, $0xF423F  }
0xc: {  	s13 =	smov.u32 @p2 s3;
	p2 =	sne.s32 s10, s7  }
.Ltmp1:
0xd: {  	p1 =	slt.u32 s10, $0x2;
	(pc) =	sbr.rel @!p2 .LBB1_6-.Ltmp1, $4  }
0xe: {  	s12 =	simm.s32 @!p1 $0x2  }
0xf: {  	s14 =	sadd.s32 $0x1, s10;
	_ =	swait.ge @!p1 [sflag:s12], $0x2000  }
0x10: {  	s11 =	smov.u32 s9;
	p0 =	por !p0, !p0;
	[sflag:s12] =	ssyncset.done @!p1 $0x0  }
0x11: {  	s10 =	smov.u32 s14;
	s9 =	smov.u32 s13;
	[sflag:s12] =	ssyncadd.s32 @!p1 $0xFFFFE000  }
.LBB1_1:
0x12: {  	p1 =	sgt.u32 s10, s6  }
0x13: {  	s13 =	smov.u32 s9;
	p2 =	sgt.s32 @!p1 s9, $0xF41C0  }
0x14: {  	s12 =	sand.u32 @!p1 $0x1FFFFFF, s9;
	s14 =	sshra.s32 @!p1 s9, $0x1F;
	p2 =	por !p2, p1  }
0x15: {  	s15 =	smulhi.u32 @!p1 $0x218DEF5, s12;
	s14 =	sand.u32 @!p1 s14, s9;
	s13 =	simm.s32 @p2 $0xF41C0  }
0x16: {  	s13 =	ssub.s32 @!p1 s13, s14  }
0x17: {  	s14 =	sshrl.u32 @!p1 s15, $0xD;
	s13 =	sadd.s32 @!p1 $0xFFF0BE40, s13  }
0x18: {  	s15 =	sxor.u32 @!p1 $0xFFFFFFFF, s10;
	s14 =	smul.u32 @!p1 $0xF4240, s14;
	s16 =	sshll.u32 @!p1 s13, $0x8  }
0x19: {  	s15 =	sshll.u32 @!p1 s15, $0xD;
	p2 =	sgt.s32 @!p1 s13, $0x7F;
	s13 =	ssub.s32 @!p1 $0x8000, s16  }
0x1a: {  	s12 =	ssub.s32 @!p1 s12, s14;
	p2 =	por !p2, p1;
	s14 =	sand.u32 @!p1 $0x2000, s15  }
0x1b: {  	s15 =	simm.s32 @!p1 $0x40;
	s13 =	sshrl.u32 @!p1 s13, $0x2;
	s12 =	sshll.u32 @!p1 s12, $0x4  }
0x1c: {  	s16 =	simm.s32 @!p1 $0x80;
	s13 =	simm.s32 @!p2 $0x0;
	s12 =	sadd.s32 @!p1 s4, s12  }
0x1d: {  	[tilespmem:s14], [sflag:$0x1] =	stream.strided.gather @!p1 [hbm4b:s12+s15], s13, s16, s15, $0x38;
	[tilespmem:$0x8080] =	vst v63  }
0x1e: {  	p1 =	seq.s32 s10, $0x0  }
0x1f: {  	p2 =	sge.u32 @!p1 s10, s7  }
0x20: {  	p1 =	por p1, p2  }
.Ltmp2:
0x21: {  	_ = 	snop;
	(pc) =	sbr.rel @p1 .LBB1_5-.Ltmp2, $1  }
0x22: {  	_ =	sdelay $0x3  }
0x23: {  	p1 =	sgt.s32 s11, $0xF41C0;
	s12 =	smov.u32 s11;
	s13 =	sshra.s32 s11, $0x1F  }
0x24: {  	s12 =	simm.s32 @!p1 $0xF41C0;
	s13 =	sand.u32 s13, s11  }
0x25: {  	s12 =	ssub.s32 s12, s13  }
0x26: {  	s12 =	sadd.s32 $0xFFF0BE40, s12  }
0x27: {  	s28 =	sshll.u32 s12, $0x8  }
0x28: {  	s13 =	ssub.s32 $0x8000, s28  }
0x29: {  	p1 =	sgt.s32 s12, $0x7F;
	s12 =	sshrl.u32 s13, $0x2  }
0x2a: {  	s13 =	simm.s32 $0x1;
	s12 =	simm.s32 @p1 $0x0  }
0x2b: {  	s13 =	simm.s32 @!p0 $0x0;
	_ =	swait.ge [sflag:s5], s12  }
0x2c: {  	s14 =	sshll.u32 s13, $0xD;
	s12 =	ssub.s32 $0x0, s12;
	[sflag:s5] =	ssyncset.done $0x0  }
0x2d: {  	s16 =	sor.u32 $0x20, s14;
	[sflag:s5] =	ssyncadd.s32 s12  }
0x2e: {  	s29 =	smul.u32 $0x8100, s13;
	v3 =	vld [tilespmem:s16+$0x10]  }
0x2f: {  	s30 =	sand.u32 $0x1, s10;
	v2 =	vld [tilespmem:s16+$0xFFFFFFF0]  }
0x30: {  	s13 =	smul.u32 $0x8100, s30;
	s12 =	sshrl.u32 s29, $0x2;
	v0 =	vld [tilespmem:s16+$0x0]  }
0x31: {  	s14 =	sor.u32 $0x4000, s12;
	v1 =	vld [tilespmem:s16+$0xFFFFFFE0]  }
0x32: {  	s31 =	sshrl.u32 s13, $0x2;
	s13 =	sadd.s32 $0x0, s14  }
0x33: {  	s15 =	simm.s32 $0x4;
	s12 =	sor.u32 $0x4000, s31;
	s16 =	sadd.s32 $0x40, s16;
	[tilespmem:s13+$0x1830 ss:$0x81] =	vst.msk $0xffff, v3  }
.LBB1_3:
0x34: {  	v3 =	vld [tilespmem:s16+$0x10];
	p1 =	sne.s32 s15, $0x1FC;
	[tilespmem:s13+$0x810 ss:$0x81] =	vst.msk $0xffff, v2;
	s17 =	smov.u32 s15;
	s15 =	sadd.s32 $0x4, s15  }
.Ltmp3:
0x35: {  	v2 =	vld [tilespmem:s16+$0xFFFFFFF0];
	[tilespmem:s13+$0x1020 ss:$0x81] =	vst.msk $0xffff, v0;
	(pc) =	sbr.rel @p1 .LBB1_3-.Ltmp3, $4  }
0x36: {  	v0 =	vld [tilespmem:s16+$0x0];
	[tilespmem:s13+$0x0 ss:$0x81] =	vst.msk $0xffff, v1  }
0x37: {  	s13 =	sshra.s32 s17, $0x2;
	v1 =	vld [tilespmem:s16+$0xFFFFFFE0]  }
0x38: {  	s13 =	sadd.s32 s13, s14  }
0x39: {  	s16 =	sadd.s32 $0x40, s16;
	[tilespmem:s13+$0x1830 ss:$0x81] =	vst.msk $0xffff, v3  }
0x3a: {  	s14 =	sshll.u32 s11, $0x3  }
0x3b: {  	s30 =	sand.u32 $0x7F, s11;
	s14 =	sand.u32 $0xFFFFFC00, s14  }
0x3c: {  	s11 =	sor.u32 s30, s14  }
0x3d: {  	s15 =	smulhi.u32 $0x218D6287, s11;
	_ =	sdelay $0x1  }
0x3e: {  	s14 =	smulhi.u32 $0x218D6287, s14;
	s15 =	sshrl.u32 s15, $0x11  }
0x3f: {  	s15 =	smul.u32 $0xF4280, s15  }
0x40: {  	s14 =	sshrl.u32 s14, $0x11  }
.Ltmp4:
0x41: {  	s14 =	sand.u32 $0x3F, s14;
	s11 =	ssub.s32 s11, s15;
	(pc) =	sbr.rel .LBB1_5-.Ltmp4, $4  }
0x42: {  	[tilespmem:s13+$0x810 ss:$0x81] =	vst.msk $0xffff, v2;
	s14 =	smul.u32 $0x1E850, s14;
	s15 =	sshrl.u32 s11, $0x3;
	s11 =	sand.u32 $0x7, s11  }
0x43: {  	[tilespmem:s13+$0x1020 ss:$0x81] =	vst.msk $0xffff, v0;
	s15 =	sadd.s32 s2, s15;
	s11 =	sshll.u32 s11, $0x12  }
0x44: {  	[tilespmem:s13+$0x0 ss:$0x81] =	vst.msk $0xffff, v1;
	s31 =	sadd.s32 s14, s15;
	s11 =	sor.u32 $0x400, s11  }
0x45: {  	[hbm4b:s31+s11] =	stream.strided.scatter [tilespmem:s12], [sflag:$0x2], $0x2000, s8, s11, $0x20;
	[tilespmem:$0x8080] =	vst v63  }
.LBB1_6:
0x46: {  	_ =	sfence.sel $0x180000  }
0x47: {  	s2 =	simm.s32 $0x1;
	[bflag:$0x0] =	sbarrier.arrive $0xFFFF  }
0x48: {  	s31 =	simm.s32 $0x2;
	[sflag:s2] =	ssyncpa.u1 $0x1  }
0x49: {  	[sflag:s31] =	ssyncpa.u1 $0x1  }
0x4a: {  	p0 =	sne.s32 s1, $0x0;
	_ =	strace $0x9000004D  }
0x4b: {  	s0 =	sadd.s32 @!p0 $0x100000, s0;
	[bflag:$0x2] =	sbarrier.arrive $0xFFFF  }
0x4c: {  	[sflag:s0] =	ssyncadd.tile.s32 @!p0 $0x1;
	_ =	shalt  }
.Lfunc_end1:
_tile_overlayer_lowered:
.L_overlay_start_2:
0x4d: {  	(tag) =	ssettag $0x2  }
0x4e: {  	s0 =	rddreg [dreg:$0x0];
	s2 =	stileid.u32  }
0x4f: {  	s1 =	rddreg [dreg:$0x1];
	p0 =	sne.s32 s2, $0x0  }
0x50: {  	s3 =	rddreg [dreg:$0x2];
	[bflag:$0x3] =	sbarrier.arrive $0xFFFF;
	s2 =	simm.s32 @!p0 $0x1C01  }
0x51: {  	[timem:s3], [sflag:s2] =	dma.local @!p0 [hbm:s0], s1  }
0x52: {  	s0 =	simm.s32 @!p0 $0x1  }
0x53: {  	_ =	swait.ge @!p0 [sflag:s0], s1  }
0x54: {  	s1 =	ssub.s32 @!p0 $0x0, s1;
	[sflag:s0] =	ssyncset.done @!p0 $0x0  }
0x55: {  	[sflag:s0] =	ssyncadd.s32 @!p0 s1  }
0x56: {  	[bflag:$0x3] =	sbarrier.arrive $0xFFFF  }
0x57: {  	_ =	shalt  }

</sc_bundles>
